<compile_context>
chip_gen: v7x
topology: tpu7x:2x2x1
jax: 0.10.2.dev20260603
libtpu: 0.0.44.dev20260713+nightly
codegen_flags: <defaults>
</compile_context>

<pallas_src>
import functools

import jax
import jax.numpy as jnp
from jax import lax
from jax.experimental import pallas as pl
from jax.experimental.pallas import tpu as pltpu
from jax.experimental.pallas import tpu_sc as plsc

N = 10000
E = 320000
D = 128

CHUNK = 128
NUM_CHUNKS = E // CHUNK
NC = 2
NS = 16
NW = NC * NS
CPW = NUM_CHUNKS // NW
EXTRA = NUM_CHUNKS - CPW * NW
MAXC = CPW + 1
OUTER = (MAXC + 3) // 4

ROWS_PER_TILE = 624
REM0 = NS * ROWS_PER_TILE


def _sc_aggregate(x, edges_flat):
    mesh = plsc.VectorSubcoreMesh(core_axis_name="c", subcore_axis_name="s")

    @functools.partial(
        pl.kernel,
        mesh=mesh,
        out_type=jax.ShapeDtypeStruct((NC, N, D), jnp.float32),
        scratch_types=[
            pltpu.VMEM((CHUNK,), jnp.int32),
            pltpu.VMEM((CHUNK,), jnp.int32),
            pltpu.VMEM((CHUNK,), jnp.int32),
            pltpu.VMEM((CHUNK,), jnp.int32),
            pltpu.VMEM((1, CHUNK), jnp.int32),
            pltpu.VMEM((1, CHUNK), jnp.int32),
            pltpu.VMEM((1, CHUNK), jnp.int32),
            pltpu.VMEM((1, CHUNK), jnp.int32),
            pltpu.VMEM((CHUNK, D), jnp.float32),
            pltpu.VMEM((CHUNK, D), jnp.float32),
            pltpu.VMEM_SHARED((N, D), jnp.float32),
            pltpu.SemaphoreType.DMA,
            pltpu.SemaphoreType.DMA,
            pltpu.SemaphoreType.DMA,
            pltpu.SemaphoreType.DMA,
            pltpu.SemaphoreType.DMA,
            pltpu.SemaphoreType.DMA,
        ],
    )
    def agg_kernel(x_hbm, e_hbm, out_hbm,
                   sv0, sv1, sv2, sv3, dv0, dv1, dv2, dv3, r0, r1, acc,
                   g0, g1, i0, i1, i2, i3):
        srcs = (sv0, sv1, sv2, sv3)
        dsts = (dv0, dv1, dv2, dv3)
        rows = (r0, r1)
        gs = (g0, g1)
        isems = (i0, i1, i2, i3)
        c = lax.axis_index("c")
        sid = lax.axis_index("s")
        w = c * NS + sid
        row0 = sid * ROWS_PER_TILE

        nch = CPW + jnp.where(w < EXTRA, 1, 0)
        base = CPW * w + jnp.minimum(w, EXTRA)
        off0 = base * CHUNK

        pltpu.async_copy(e_hbm.at[pl.ds(off0, CHUNK)], sv0, i0)
        pltpu.async_copy(e_hbm.at[pl.ds(E + off0, CHUNK)], dv0.at[0], i0)

        @pl.when(1 < nch)
        def _():
            off1 = (base + 1) * CHUNK
            pltpu.async_copy(e_hbm.at[pl.ds(off1, CHUNK)], sv1, i1)
            pltpu.async_copy(e_hbm.at[pl.ds(E + off1, CHUNK)], dv1.at[0], i1)

        zv = jnp.zeros((16,), jnp.float32)

        def zfill(i, carry):
            for cc in range(8):
                r0[i, pl.ds(cc * 16, 16)] = zv
            return carry

        lax.fori_loop(0, CHUNK, zfill, 0)
        for k in range(4):
            pltpu.sync_copy(r0, acc.at[pl.ds(row0 + k * CHUNK, CHUNK)])
        pltpu.sync_copy(r0.at[pl.ds(0, ROWS_PER_TILE - 4 * CHUNK)],
                        acc.at[pl.ds(row0 + 4 * CHUNK,
                                     ROWS_PER_TILE - 4 * CHUNK)])

        @pl.when(sid == 0)
        def _():
            pltpu.sync_copy(r0.at[pl.ds(0, N - REM0)],
                            acc.at[pl.ds(REM0, N - REM0)])

        pltpu.make_async_copy(
            e_hbm.at[pl.ds(off0, CHUNK)], sv0, i0).wait()
        pltpu.make_async_copy(
            e_hbm.at[pl.ds(E + off0, CHUNK)], dv0.at[0], i0).wait()
        pltpu.async_copy(x_hbm.at[sv0], r0, g0)

        plsc.subcore_barrier()

        def outer(t, carry):
            for b in range(4):
                j = 4 * t + b
                rb = b % 2
                rb1 = 1 - rb
                ib1 = (b + 1) % 4
                ib2 = (b + 2) % 4

                @pl.when(j < nch)
                def _():
                    pltpu.make_async_copy(
                        x_hbm.at[srcs[b]], rows[rb], gs[rb]).wait()

                    @pl.when(j + 2 < nch)
                    def _():
                        off = (base + j + 2) * CHUNK
                        pltpu.async_copy(
                            e_hbm.at[pl.ds(off, CHUNK)], srcs[ib2],
                            isems[ib2])
                        pltpu.async_copy(
                            e_hbm.at[pl.ds(E + off, CHUNK)], dsts[ib2].at[0],
                            isems[ib2])

                    @pl.when(j + 1 < nch)
                    def _():
                        off = (base + j + 1) * CHUNK
                        pltpu.make_async_copy(
                            e_hbm.at[pl.ds(off, CHUNK)], srcs[ib1],
                            isems[ib1]).wait()
                        pltpu.make_async_copy(
                            e_hbm.at[pl.ds(E + off, CHUNK)], dsts[ib1].at[0],
                            isems[ib1]).wait()
                        pltpu.async_copy(
                            x_hbm.at[srcs[ib1]], rows[rb1], gs[rb1])

                    pltpu.sync_copy(rows[rb], acc.at[dsts[b].at[0]], add=True)
            return carry

        lax.fori_loop(0, OUTER, outer, 0)
        plsc.subcore_barrier()

        pltpu.sync_copy(acc.at[pl.ds(row0, ROWS_PER_TILE)],
                        out_hbm.at[c, pl.ds(row0, ROWS_PER_TILE)])

        @pl.when(sid == 0)
        def _():
            pltpu.sync_copy(acc.at[pl.ds(REM0, N - REM0)],
                            out_hbm.at[c, pl.ds(REM0, N - REM0)])

    return agg_kernel(x, edges_flat)


BLK = 2000


def _mlp_body(eps_ref, x_ref, p_ref, w1_ref, b1_ref, w2_ref, b2_ref, o_ref):
    agg = p_ref[0] + p_ref[1]
    out = (1.0 + eps_ref[...]) * x_ref[...] + agg
    h = jnp.dot(out, w1_ref[...], preferred_element_type=jnp.float32)
    h = jnp.maximum(h + b1_ref[...], 0.0)
    o_ref[...] = (
        jnp.dot(h, w2_ref[...], preferred_element_type=jnp.float32)
        + b2_ref[...]
    )


def _mlp(x, partials, eps, W1, b1, W2, b2):
    eps2 = eps.reshape(1, 1).astype(jnp.float32)
    return pl.pallas_call(
        _mlp_body,
        grid=(N // BLK,),
        in_specs=[
            pl.BlockSpec((1, 1), lambda i: (0, 0)),
            pl.BlockSpec((BLK, D), lambda i: (i, 0)),
            pl.BlockSpec((NC, BLK, D), lambda i: (0, i, 0)),
            pl.BlockSpec((D, D), lambda i: (0, 0)),
            pl.BlockSpec((1, D), lambda i: (0, 0)),
            pl.BlockSpec((D, D), lambda i: (0, 0)),
            pl.BlockSpec((1, D), lambda i: (0, 0)),
        ],
        out_specs=pl.BlockSpec((BLK, D), lambda i: (i, 0)),
        out_shape=jax.ShapeDtypeStruct((N, D), jnp.float32),
    )(eps2, x, partials, W1, b1.reshape(1, D), W2, b2.reshape(1, D))


@jax.jit
def kernel(x, edge_idx, eps, W1, b1, W2, b2):
    efl = edge_idx.astype(jnp.int32).reshape(-1)
    partials = _sc_aggregate(x, efl)
    return _mlp(x, partials, eps, W1, b1, W2, b2)

# --- scband reference (transcript-rebuilt; emitter-appended) ---
"""Pipeline reference for scband-ginconv-57672820851271 (READ-ONLY COPY).

The authoritative reference and input builder live on the scoring server;
editing this copy changes nothing except your own understanding.
"""

import jax, jax.numpy as jnp
import numpy as np

N = 10000
E = 320000
D = 128

def setup_inputs(seed: int = 0) -> dict:
    key = jax.random.key(seed)
    k1, k2, k3, k4, k5, k6 = jax.random.split(key, 6)
    x = jax.random.normal(k1, (N, D), dtype=jnp.float32)
    edge_idx = jax.random.randint(k2, (2, E), 0, N, dtype=jnp.int64)
    # MLP params: Linear(D->D) -> ReLU -> Linear(D->D), like typical GIN mlp
    W1 = jax.random.normal(k3, (D, D), dtype=jnp.float32) * (1.0 / np.sqrt(D))
    b1 = jnp.zeros((D,), dtype=jnp.float32)
    W2 = jax.random.normal(k4, (D, D), dtype=jnp.float32) * (1.0 / np.sqrt(D))
    b2 = jnp.zeros((D,), dtype=jnp.float32)
    eps = jnp.zeros((1,), dtype=jnp.float32)
    return {"x": x, "edge_idx": edge_idx, "eps": eps, "W1": W1, "b1": b1, "W2": W2, "b2": b2}

def reference(x, edge_idx, eps, W1, b1, W2, b2):
    src = edge_idx[0]
    dst = edge_idx[1]
    # scatter-add aggregation: out[dst] += x[src]
    agg = jnp.zeros_like(x).at[dst].add(x[src])
    out = (1.0 + eps) * x + agg
    h = jnp.maximum(out @ W1 + b1, 0.0)
    return h @ W2 + b2

if __name__ == "__main__":
    import jax
    _d = setup_inputs()
    print(jax.jit(kernel)(*tuple(_d.values())))

</pallas_src>

<mosaic_0001>
#map = affine_map<(d0, d1) -> (0, 0)>
#map1 = affine_map<(d0, d1) -> (0)>
#map2 = affine_map<(d0, d1) -> (0, 0, 0)>
module attributes {stable_mosaic.version = 14 : i64} {
  func.func @agg_kernel(%arg0: i32, %arg1: i32, %arg2: memref<10000x128xf32, #tpu.memory_space<hbm>>, %arg3: memref<640000xi32, #tpu.memory_space<hbm>>, %arg4: memref<2x10000x128xf32, #tpu.memory_space<hbm>>, %arg5: memref<128xi32, #tpu.memory_space<vmem>>, %arg6: memref<128xi32, #tpu.memory_space<vmem>>, %arg7: memref<128xi32, #tpu.memory_space<vmem>>, %arg8: memref<128xi32, #tpu.memory_space<vmem>>, %arg9: memref<1x128xi32, #tpu.memory_space<vmem>>, %arg10: memref<1x128xi32, #tpu.memory_space<vmem>>, %arg11: memref<1x128xi32, #tpu.memory_space<vmem>>, %arg12: memref<1x128xi32, #tpu.memory_space<vmem>>, %arg13: memref<128x128xf32, #tpu.memory_space<vmem>>, %arg14: memref<128x128xf32, #tpu.memory_space<vmem>>, %arg15: memref<10000x128xf32, #tpu.memory_space<vmem_shared>>, %arg16: memref<!tpu.dma_semaphore, #tpu.memory_space<semaphore_mem>>, %arg17: memref<!tpu.dma_semaphore, #tpu.memory_space<semaphore_mem>>, %arg18: memref<!tpu.dma_semaphore, #tpu.memory_space<semaphore_mem>>, %arg19: memref<!tpu.dma_semaphore, #tpu.memory_space<semaphore_mem>>, %arg20: memref<!tpu.dma_semaphore, #tpu.memory_space<semaphore_mem>>, %arg21: memref<!tpu.dma_semaphore, #tpu.memory_space<semaphore_mem>>) attributes {dimension_semantics = [#tpu.dimension_semantics<core_parallel>, #tpu.dimension_semantics<subcore_parallel>], iteration_bounds = array<i64: 2, 16>, scalar_prefetch = 0 : i64, scratch_operands = 17 : i64, tpu.core_type = #tpu.core_type<sc_vector_subcore>, window_params = [{transform_indices = #map}, {transform_indices = #map1}, {transform_indices = #map2}]} {
    %mul3A = arith.constant 16 : i32
    %mul3A_0 = arith.muli %arg0, %mul3A : i32
    %add3A = arith.addi %mul3A_0, %arg1 : i32
    %mul3A_1 = arith.constant 624 : i32
    %mul3A_2 = arith.muli %arg1, %mul3A_1 : i32
    %lt3A = arith.constant 4 : i32
    %lt3A_3 = arith.cmpi slt, %add3A, %lt3A : i32
    %jit3A = arith.constant 1 : i32
    %jit3A_4 = arith.constant 0 : i32
    %select_n3A = arith.select %lt3A_3, %jit3A, %jit3A_4 : i32
    %add3A_5 = arith.constant 78 : i32
    %add3A_6 = arith.addi %add3A_5, %select_n3A : i32
    %mul3A_7 = arith.constant 78 : i32
    %mul3A_8 = arith.muli %mul3A_7, %add3A : i32
    %min3A = arith.constant 4 : i32
    %min3A_9 = arith.minsi %add3A, %min3A : i32
    %add3A_10 = arith.addi %mul3A_8, %min3A_9 : i32
    %mul3A_11 = arith.constant 128 : i32
    %mul3A_12 = arith.muli %add3A_10, %mul3A_11 : i32
    %dma_start3A = tpu.memref_slice %arg3[%mul3A_12] : memref<640000xi32, #tpu.memory_space<hbm>> -> memref<128xi32, #tpu.memory_space<hbm>>
    %dma_start3A_13 = tpu.memref_slice %arg3[%mul3A_12] : memref<640000xi32, #tpu.memory_space<hbm>> -> memref<128xi32, #tpu.memory_space<hbm>>
    tpu.enqueue_dma source(%dma_start3A_13 : memref<128xi32, #tpu.memory_space<hbm>>) target(%arg5 : memref<128xi32, #tpu.memory_space<vmem>>) target_semaphore(%arg18 : memref<!tpu.dma_semaphore, #tpu.memory_space<semaphore_mem>>)
    %add3A_14 = arith.constant 320000 : i32
    %add3A_15 = arith.addi %add3A_14, %mul3A_12 : i32
    %dma_start3A_16 = arith.constant 0 : i32
    %dma_start3A_17 = arith.constant 0 : i32
    %dma_start3A_18 = tpu.memref_slice %arg9[%dma_start3A_16, %dma_start3A_17] : memref<1x128xi32, #tpu.memory_space<vmem>> -> memref<1x128xi32, #tpu.memory_space<vmem>>
    %dma_start3A_19 = tpu.memref_squeeze %dma_start3A_18 : memref<1x128xi32, #tpu.memory_space<vmem>> -> memref<128xi32, #tpu.memory_space<vmem>>
    %dma_start3A_20 = tpu.memref_slice %arg3[%add3A_15] : memref<640000xi32, #tpu.memory_space<hbm>> -> memref<128xi32, #tpu.memory_space<hbm>>
    %dma_start3A_21 = arith.constant 0 : i32
    %dma_start3A_22 = tpu.memref_slice %arg9[%dma_start3A_16, %dma_start3A_21] : memref<1x128xi32, #tpu.memory_space<vmem>> -> memref<1x128xi32, #tpu.memory_space<vmem>>
    %dma_start3A_23 = tpu.memref_squeeze %dma_start3A_22 : memref<1x128xi32, #tpu.memory_space<vmem>> -> memref<128xi32, #tpu.memory_space<vmem>>
    %dma_start3A_24 = tpu.memref_slice %arg3[%add3A_15] : memref<640000xi32, #tpu.memory_space<hbm>> -> memref<128xi32, #tpu.memory_space<hbm>>
    tpu.enqueue_dma source(%dma_start3A_24 : memref<128xi32, #tpu.memory_space<hbm>>) target(%dma_start3A_23 : memref<128xi32, #tpu.memory_space<vmem>>) target_semaphore(%arg18 : memref<!tpu.dma_semaphore, #tpu.memory_space<semaphore_mem>>)
    %gt3A = arith.constant 1 : i32
    %gt3A_25 = arith.cmpi sgt, %add3A_6, %gt3A : i32
    %convert_element_type3A = arith.extui %gt3A_25 : i1 to i32
    %cond3A = arith.constant 0 : i32
    %cond3A_26 = arith.cmpi ne, %convert_element_type3A, %cond3A : i32
    scf.if %cond3A_26 {
      %add3A_74 = arith.constant 1 : i32
      %add3A_75 = arith.addi %add3A_10, %add3A_74 : i32
      %mul3A_76 = arith.constant 128 : i32
      %mul3A_77 = arith.muli %add3A_75, %mul3A_76 : i32
      %dma_start3A_78 = tpu.memref_slice %arg3[%mul3A_77] : memref<640000xi32, #tpu.memory_space<hbm>> -> memref<128xi32, #tpu.memory_space<hbm>>
      %dma_start3A_79 = tpu.memref_slice %arg3[%mul3A_77] : memref<640000xi32, #tpu.memory_space<hbm>> -> memref<128xi32, #tpu.memory_space<hbm>>
      tpu.enqueue_dma source(%dma_start3A_79 : memref<128xi32, #tpu.memory_space<hbm>>) target(%arg6 : memref<128xi32, #tpu.memory_space<vmem>>) target_semaphore(%arg19 : memref<!tpu.dma_semaphore, #tpu.memory_space<semaphore_mem>>)
      %add3A_80 = arith.constant 320000 : i32
      %add3A_81 = arith.addi %add3A_80, %mul3A_77 : i32
      %dma_start3A_82 = arith.constant 0 : i32
      %dma_start3A_83 = arith.constant 0 : i32
      %dma_start3A_84 = tpu.memref_slice %arg10[%dma_start3A_82, %dma_start3A_83] : memref<1x128xi32, #tpu.memory_space<vmem>> -> memref<1x128xi32, #tpu.memory_space<vmem>>
      %dma_start3A_85 = tpu.memref_squeeze %dma_start3A_84 : memref<1x128xi32, #tpu.memory_space<vmem>> -> memref<128xi32, #tpu.memory_space<vmem>>
      %dma_start3A_86 = tpu.memref_slice %arg3[%add3A_81] : memref<640000xi32, #tpu.memory_space<hbm>> -> memref<128xi32, #tpu.memory_space<hbm>>
      %dma_start3A_87 = arith.constant 0 : i32
      %dma_start3A_88 = tpu.memref_slice %arg10[%dma_start3A_82, %dma_start3A_87] : memref<1x128xi32, #tpu.memory_space<vmem>> -> memref<1x128xi32, #tpu.memory_space<vmem>>
      %dma_start3A_89 = tpu.memref_squeeze %dma_start3A_88 : memref<1x128xi32, #tpu.memory_space<vmem>> -> memref<128xi32, #tpu.memory_space<vmem>>
      %dma_start3A_90 = tpu.memref_slice %arg3[%add3A_81] : memref<640000xi32, #tpu.memory_space<hbm>> -> memref<128xi32, #tpu.memory_space<hbm>>
      tpu.enqueue_dma source(%dma_start3A_90 : memref<128xi32, #tpu.memory_space<hbm>>) target(%dma_start3A_89 : memref<128xi32, #tpu.memory_space<vmem>>) target_semaphore(%arg19 : memref<!tpu.dma_semaphore, #tpu.memory_space<semaphore_mem>>)
    } else {
    }
    %broadcast_in_dim3A = arith.constant 0.000000e+00 : f32
    %broadcast_in_dim3A_27 = vector.broadcast %broadcast_in_dim3A : f32 to vector<16xf32>
    %scan3A = arith.constant 0 : i32
    %scan3A_28 = arith.constant 0 : i32
    %scan3A_29 = arith.constant 128 : i32
    %scan3A_30 = arith.addi %scan3A_28, %scan3A_29 : i32
    %scan3A_31 = arith.constant 1 : i32
    scf.for %scan3A_74 = %scan3A_28 to %scan3A_30 step %scan3A_31  : i32 {
      %swap3A = arith.index_cast %scan3A_74 : i32 to index
      %swap3A_75 = arith.constant 0 : index
      %swap3A_76 = tpu.vector_load %arg13[%swap3A, %swap3A_75] {strides = array<i32>} : memref<128x128xf32, #tpu.memory_space<vmem>>, vector<1x16xf32>,
      %swap3A_77 = vector.shape_cast %swap3A_76 : vector<1x16xf32> to vector<16xf32>
      %swap3A_78 = vector.shape_cast %broadcast_in_dim3A_27 : vector<16xf32> to vector<1x16xf32>
      tpu.vector_store %arg13[%swap3A, %swap3A_75], %swap3A_78 {strides = array<i32>} : memref<128x128xf32, #tpu.memory_space<vmem>>, vector<1x16xf32>,
      %swap3A_79 = arith.index_cast %scan3A_74 : i32 to index
      %swap3A_80 = arith.constant 16 : index
      %swap3A_81 = tpu.vector_load %arg13[%swap3A_79, %swap3A_80] {strides = array<i32>} : memref<128x128xf32, #tpu.memory_space<vmem>>, vector<1x16xf32>,
      %swap3A_82 = vector.shape_cast %swap3A_81 : vector<1x16xf32> to vector<16xf32>
      %swap3A_83 = vector.shape_cast %broadcast_in_dim3A_27 : vector<16xf32> to vector<1x16xf32>
      tpu.vector_store %arg13[%swap3A_79, %swap3A_80], %swap3A_83 {strides = array<i32>} : memref<128x128xf32, #tpu.memory_space<vmem>>, vector<1x16xf32>,
      %swap3A_84 = arith.index_cast %scan3A_74 : i32 to index
      %swap3A_85 = arith.constant 32 : index
      %swap3A_86 = tpu.vector_load %arg13[%swap3A_84, %swap3A_85] {strides = array<i32>} : memref<128x128xf32, #tpu.memory_space<vmem>>, vector<1x16xf32>,
      %swap3A_87 = vector.shape_cast %swap3A_86 : vector<1x16xf32> to vector<16xf32>
      %swap3A_88 = vector.shape_cast %broadcast_in_dim3A_27 : vector<16xf32> to vector<1x16xf32>
      tpu.vector_store %arg13[%swap3A_84, %swap3A_85], %swap3A_88 {strides = array<i32>} : memref<128x128xf32, #tpu.memory_space<vmem>>, vector<1x16xf32>,
      %swap3A_89 = arith.index_cast %scan3A_74 : i32 to index
      %swap3A_90 = arith.constant 48 : index
      %swap3A_91 = tpu.vector_load %arg13[%swap3A_89, %swap3A_90] {strides = array<i32>} : memref<128x128xf32, #tpu.memory_space<vmem>>, vector<1x16xf32>,
      %swap3A_92 = vector.shape_cast %swap3A_91 : vector<1x16xf32> to vector<16xf32>
      %swap3A_93 = vector.shape_cast %broadcast_in_dim3A_27 : vector<16xf32> to vector<1x16xf32>
      tpu.vector_store %arg13[%swap3A_89, %swap3A_90], %swap3A_93 {strides = array<i32>} : memref<128x128xf32, #tpu.memory_space<vmem>>, vector<1x16xf32>,
      %swap3A_94 = arith.index_cast %scan3A_74 : i32 to index
      %swap3A_95 = arith.constant 64 : index
      %swap3A_96 = tpu.vector_load %arg13[%swap3A_94, %swap3A_95] {strides = array<i32>} : memref<128x128xf32, #tpu.memory_space<vmem>>, vector<1x16xf32>,
      %swap3A_97 = vector.shape_cast %swap3A_96 : vector<1x16xf32> to vector<16xf32>
      %swap3A_98 = vector.shape_cast %broadcast_in_dim3A_27 : vector<16xf32> to vector<1x16xf32>
      tpu.vector_store %arg13[%swap3A_94, %swap3A_95], %swap3A_98 {strides = array<i32>} : memref<128x128xf32, #tpu.memory_space<vmem>>, vector<1x16xf32>,
      %swap3A_99 = arith.index_cast %scan3A_74 : i32 to index
      %swap3A_100 = arith.constant 80 : index
      %swap3A_101 = tpu.vector_load %arg13[%swap3A_99, %swap3A_100] {strides = array<i32>} : memref<128x128xf32, #tpu.memory_space<vmem>>, vector<1x16xf32>,
      %swap3A_102 = vector.shape_cast %swap3A_101 : vector<1x16xf32> to vector<16xf32>
      %swap3A_103 = vector.shape_cast %broadcast_in_dim3A_27 : vector<16xf32> to vector<1x16xf32>
      tpu.vector_store %arg13[%swap3A_99, %swap3A_100], %swap3A_103 {strides = array<i32>} : memref<128x128xf32, #tpu.memory_space<vmem>>, vector<1x16xf32>,
      %swap3A_104 = arith.index_cast %scan3A_74 : i32 to index
      %swap3A_105 = arith.constant 96 : index
      %swap3A_106 = tpu.vector_load %arg13[%swap3A_104, %swap3A_105] {strides = array<i32>} : memref<128x128xf32, #tpu.memory_space<vmem>>, vector<1x16xf32>,
      %swap3A_107 = vector.shape_cast %swap3A_106 : vector<1x16xf32> to vector<16xf32>
      %swap3A_108 = vector.shape_cast %broadcast_in_dim3A_27 : vector<16xf32> to vector<1x16xf32>
      tpu.vector_store %arg13[%swap3A_104, %swap3A_105], %swap3A_108 {strides = array<i32>} : memref<128x128xf32, #tpu.memory_space<vmem>>, vector<1x16xf32>,
      %swap3A_109 = arith.index_cast %scan3A_74 : i32 to index
      %swap3A_110 = arith.constant 112 : index
      %swap3A_111 = tpu.vector_load %arg13[%swap3A_109, %swap3A_110] {strides = array<i32>} : memref<128x128xf32, #tpu.memory_space<vmem>>, vector<1x16xf32>,
      %swap3A_112 = vector.shape_cast %swap3A_111 : vector<1x16xf32> to vector<16xf32>
      %swap3A_113 = vector.shape_cast %broadcast_in_dim3A_27 : vector<16xf32> to vector<1x16xf32>
      tpu.vector_store %arg13[%swap3A_109, %swap3A_110], %swap3A_113 {strides = array<i32>} : memref<128x128xf32, #tpu.memory_space<vmem>>, vector<1x16xf32>,
    }
    %scan3A_32 = arith.constant 128 : i32
    %add3A_33 = arith.constant 0 : i32
    %add3A_34 = arith.addi %mul3A_2, %add3A_33 : i32
    "tpu.region"() ({
      %run_scoped3A = tpu.sem_alloc : memref<!tpu.dma_semaphore, #tpu.memory_space<semaphore_mem>>
      %dma_start3A_74 = arith.constant 0 : i32
      %dma_start3A_75 = tpu.memref_slice %arg15[%add3A_34, %dma_start3A_74] : memref<10000x128xf32, #tpu.memory_space<vmem_shared>> -> memref<128x128xf32, #tpu.memory_space<vmem_shared>>
      %dma_start3A_76 = arith.constant 0 : i32
      %dma_start3A_77 = tpu.memref_slice %arg15[%add3A_34, %dma_start3A_76] : memref<10000x128xf32, #tpu.memory_space<vmem_shared>> -> memref<128x128xf32, #tpu.memory_space<vmem_shared>>
      tpu.enqueue_dma source(%arg13 : memref<128x128xf32, #tpu.memory_space<vmem>>) target(%dma_start3A_77 : memref<128x128xf32, #tpu.memory_space<vmem_shared>>) target_semaphore(%run_scoped3A : memref<!tpu.dma_semaphore, #tpu.memory_space<semaphore_mem>>)
      %dma_wait3A_78 = arith.constant 0 : i32
      %dma_wait3A_79 = tpu.memref_slice %arg15[%add3A_34, %dma_wait3A_78] : memref<10000x128xf32, #tpu.memory_space<vmem_shared>> -> memref<128x128xf32, #tpu.memory_space<vmem_shared>>
      %dma_wait3A_80 = arith.constant 0 : i32
      %dma_wait3A_81 = tpu.memref_slice %arg15[%add3A_34, %dma_wait3A_80] : memref<10000x128xf32, #tpu.memory_space<vmem_shared>> -> memref<128x128xf32, #tpu.memory_space<vmem_shared>>
      tpu.wait_dma2 semaphore(%run_scoped3A : memref<!tpu.dma_semaphore, #tpu.memory_space<semaphore_mem>>) src(%arg13 : memref<128x128xf32, #tpu.memory_space<vmem>>) dst(%dma_wait3A_81 : memref<128x128xf32, #tpu.memory_space<vmem_shared>>)
      tpu.yield
    }) : () -> ()
    %add3A_35 = arith.constant 128 : i32
    %add3A_36 = arith.addi %mul3A_2, %add3A_35 : i32
    "tpu.region"() ({
      %run_scoped3A = tpu.sem_alloc : memref<!tpu.dma_semaphore, #tpu.memory_space<semaphore_mem>>
      %dma_start3A_74 = arith.constant 0 : i32
      %dma_start3A_75 = tpu.memref_slice %arg15[%add3A_36, %dma_start3A_74] : memref<10000x128xf32, #tpu.memory_space<vmem_shared>> -> memref<128x128xf32, #tpu.memory_space<vmem_shared>>
      %dma_start3A_76 = arith.constant 0 : i32
      %dma_start3A_77 = tpu.memref_slice %arg15[%add3A_36, %dma_start3A_76] : memref<10000x128xf32, #tpu.memory_space<vmem_shared>> -> memref<128x128xf32, #tpu.memory_space<vmem_shared>>
      tpu.enqueue_dma source(%arg13 : memref<128x128xf32, #tpu.memory_space<vmem>>) target(%dma_start3A_77 : memref<128x128xf32, #tpu.memory_space<vmem_shared>>) target_semaphore(%run_scoped3A : memref<!tpu.dma_semaphore, #tpu.memory_space<semaphore_mem>>)
      %dma_wait3A_78 = arith.constant 0 : i32
      %dma_wait3A_79 = tpu.memref_slice %arg15[%add3A_36, %dma_wait3A_78] : memref<10000x128xf32, #tpu.memory_space<vmem_shared>> -> memref<128x128xf32, #tpu.memory_space<vmem_shared>>
      %dma_wait3A_80 = arith.constant 0 : i32
      %dma_wait3A_81 = tpu.memref_slice %arg15[%add3A_36, %dma_wait3A_80] : memref<10000x128xf32, #tpu.memory_space<vmem_shared>> -> memref<128x128xf32, #tpu.memory_space<vmem_shared>>
      tpu.wait_dma2 semaphore(%run_scoped3A : memref<!tpu.dma_semaphore, #tpu.memory_space<semaphore_mem>>) src(%arg13 : memref<128x128xf32, #tpu.memory_space<vmem>>) dst(%dma_wait3A_81 : memref<128x128xf32, #tpu.memory_space<vmem_shared>>)
      tpu.yield
    }) : () -> ()
    %add3A_37 = arith.constant 256 : i32
    %add3A_38 = arith.addi %mul3A_2, %add3A_37 : i32
    "tpu.region"() ({
      %run_scoped3A = tpu.sem_alloc : memref<!tpu.dma_semaphore, #tpu.memory_space<semaphore_mem>>
      %dma_start3A_74 = arith.constant 0 : i32
      %dma_start3A_75 = tpu.memref_slice %arg15[%add3A_38, %dma_start3A_74] : memref<10000x128xf32, #tpu.memory_space<vmem_shared>> -> memref<128x128xf32, #tpu.memory_space<vmem_shared>>
      %dma_start3A_76 = arith.constant 0 : i32
      %dma_start3A_77 = tpu.memref_slice %arg15[%add3A_38, %dma_start3A_76] : memref<10000x128xf32, #tpu.memory_space<vmem_shared>> -> memref<128x128xf32, #tpu.memory_space<vmem_shared>>
      tpu.enqueue_dma source(%arg13 : memref<128x128xf32, #tpu.memory_space<vmem>>) target(%dma_start3A_77 : memref<128x128xf32, #tpu.memory_space<vmem_shared>>) target_semaphore(%run_scoped3A : memref<!tpu.dma_semaphore, #tpu.memory_space<semaphore_mem>>)
      %dma_wait3A_78 = arith.constant 0 : i32
      %dma_wait3A_79 = tpu.memref_slice %arg15[%add3A_38, %dma_wait3A_78] : memref<10000x128xf32, #tpu.memory_space<vmem_shared>> -> memref<128x128xf32, #tpu.memory_space<vmem_shared>>
      %dma_wait3A_80 = arith.constant 0 : i32
      %dma_wait3A_81 = tpu.memref_slice %arg15[%add3A_38, %dma_wait3A_80] : memref<10000x128xf32, #tpu.memory_space<vmem_shared>> -> memref<128x128xf32, #tpu.memory_space<vmem_shared>>
      tpu.wait_dma2 semaphore(%run_scoped3A : memref<!tpu.dma_semaphore, #tpu.memory_space<semaphore_mem>>) src(%arg13 : memref<128x128xf32, #tpu.memory_space<vmem>>) dst(%dma_wait3A_81 : memref<128x128xf32, #tpu.memory_space<vmem_shared>>)
      tpu.yield
    }) : () -> ()
    %add3A_39 = arith.constant 384 : i32
    %add3A_40 = arith.addi %mul3A_2, %add3A_39 : i32
    "tpu.region"() ({
      %run_scoped3A = tpu.sem_alloc : memref<!tpu.dma_semaphore, #tpu.memory_space<semaphore_mem>>
      %dma_start3A_74 = arith.constant 0 : i32
      %dma_start3A_75 = tpu.memref_slice %arg15[%add3A_40, %dma_start3A_74] : memref<10000x128xf32, #tpu.memory_space<vmem_shared>> -> memref<128x128xf32, #tpu.memory_space<vmem_shared>>
      %dma_start3A_76 = arith.constant 0 : i32
      %dma_start3A_77 = tpu.memref_slice %arg15[%add3A_40, %dma_start3A_76] : memref<10000x128xf32, #tpu.memory_space<vmem_shared>> -> memref<128x128xf32, #tpu.memory_space<vmem_shared>>
      tpu.enqueue_dma source(%arg13 : memref<128x128xf32, #tpu.memory_space<vmem>>) target(%dma_start3A_77 : memref<128x128xf32, #tpu.memory_space<vmem_shared>>) target_semaphore(%run_scoped3A : memref<!tpu.dma_semaphore, #tpu.memory_space<semaphore_mem>>)
      %dma_wait3A_78 = arith.constant 0 : i32
      %dma_wait3A_79 = tpu.memref_slice %arg15[%add3A_40, %dma_wait3A_78] : memref<10000x128xf32, #tpu.memory_space<vmem_shared>> -> memref<128x128xf32, #tpu.memory_space<vmem_shared>>
      %dma_wait3A_80 = arith.constant 0 : i32
      %dma_wait3A_81 = tpu.memref_slice %arg15[%add3A_40, %dma_wait3A_80] : memref<10000x128xf32, #tpu.memory_space<vmem_shared>> -> memref<128x128xf32, #tpu.memory_space<vmem_shared>>
      tpu.wait_dma2 semaphore(%run_scoped3A : memref<!tpu.dma_semaphore, #tpu.memory_space<semaphore_mem>>) src(%arg13 : memref<128x128xf32, #tpu.memory_space<vmem>>) dst(%dma_wait3A_81 : memref<128x128xf32, #tpu.memory_space<vmem_shared>>)
      tpu.yield
    }) : () -> ()
    %add3A_41 = arith.constant 512 : i32
    %add3A_42 = arith.addi %mul3A_2, %add3A_41 : i32
    "tpu.region"() ({
      %run_scoped3A = tpu.sem_alloc : memref<!tpu.dma_semaphore, #tpu.memory_space<semaphore_mem>>
      %dma_start3A_74 = arith.constant 0 : i32
      %dma_start3A_75 = arith.constant 0 : i32
      %dma_start3A_76 = tpu.memref_slice %arg13[%dma_start3A_74, %dma_start3A_75] : memref<128x128xf32, #tpu.memory_space<vmem>> -> memref<112x128xf32, #tpu.memory_space<vmem>>
      %dma_start3A_77 = arith.constant 0 : i32
      %dma_start3A_78 = tpu.memref_slice %arg15[%add3A_42, %dma_start3A_77] : memref<10000x128xf32, #tpu.memory_space<vmem_shared>> -> memref<112x128xf32, #tpu.memory_space<vmem_shared>>
      %dma_start3A_79 = arith.constant 0 : i32
      %dma_start3A_80 = tpu.memref_slice %arg15[%add3A_42, %dma_start3A_79] : memref<10000x128xf32, #tpu.memory_space<vmem_shared>> -> memref<112x128xf32, #tpu.memory_space<vmem_shared>>
      %dma_start3A_81 = arith.constant 0 : i32
      %dma_start3A_82 = arith.constant 0 : i32
      %dma_start3A_83 = tpu.memref_slice %arg13[%dma_start3A_81, %dma_start3A_82] : memref<128x128xf32, #tpu.memory_space<vmem>> -> memref<112x128xf32, #tpu.memory_space<vmem>>
      tpu.enqueue_dma source(%dma_start3A_83 : memref<112x128xf32, #tpu.memory_space<vmem>>) target(%dma_start3A_80 : memref<112x128xf32, #tpu.memory_space<vmem_shared>>) target_semaphore(%run_scoped3A : memref<!tpu.dma_semaphore, #tpu.memory_space<semaphore_mem>>)
      %dma_wait3A_84 = arith.constant 0 : i32
      %dma_wait3A_85 = arith.constant 0 : i32
      %dma_wait3A_86 = tpu.memref_slice %arg13[%dma_wait3A_84, %dma_wait3A_85] : memref<128x128xf32, #tpu.memory_space<vmem>> -> memref<112x128xf32, #tpu.memory_space<vmem>>
      %dma_wait3A_87 = arith.constant 0 : i32
      %dma_wait3A_88 = tpu.memref_slice %arg15[%add3A_42, %dma_wait3A_87] : memref<10000x128xf32, #tpu.memory_space<vmem_shared>> -> memref<112x128xf32, #tpu.memory_space<vmem_shared>>
      %dma_wait3A_89 = arith.constant 0 : i32
      %dma_wait3A_90 = tpu.memref_slice %arg15[%add3A_42, %dma_wait3A_89] : memref<10000x128xf32, #tpu.memory_space<vmem_shared>> -> memref<112x128xf32, #tpu.memory_space<vmem_shared>>
      %dma_wait3A_91 = arith.constant 0 : i32
      %dma_wait3A_92 = arith.constant 0 : i32
      %dma_wait3A_93 = tpu.memref_slice %arg13[%dma_wait3A_91, %dma_wait3A_92] : memref<128x128xf32, #tpu.memory_space<vmem>> -> memref<112x128xf32, #tpu.memory_space<vmem>>
      tpu.wait_dma2 semaphore(%run_scoped3A : memref<!tpu.dma_semaphore, #tpu.memory_space<semaphore_mem>>) src(%dma_wait3A_93 : memref<112x128xf32, #tpu.memory_space<vmem>>) dst(%dma_wait3A_90 : memref<112x128xf32, #tpu.memory_space<vmem_shared>>)
      tpu.yield
    }) : () -> ()
    %eq3A = arith.constant 0 : i32
    %eq3A_43 = arith.cmpi eq, %arg1, %eq3A : i32
    %convert_element_type3A_44 = arith.extui %eq3A_43 : i1 to i32
    %cond3A_45 = arith.constant 0 : i32
    %cond3A_46 = arith.cmpi ne, %convert_element_type3A_44, %cond3A_45 : i32
    scf.if %cond3A_46 {
      "tpu.region"() ({
        %run_scoped3A = tpu.sem_alloc : memref<!tpu.dma_semaphore, #tpu.memory_space<semaphore_mem>>
        %dma_start3A_74 = arith.constant 0 : i32
        %dma_start3A_75 = arith.constant 0 : i32
        %dma_start3A_76 = tpu.memref_slice %arg13[%dma_start3A_74, %dma_start3A_75] : memref<128x128xf32, #tpu.memory_space<vmem>> -> memref<16x128xf32, #tpu.memory_space<vmem>>
        %dma_start3A_77 = arith.constant 9984 : i32
        %dma_start3A_78 = arith.constant 0 : i32
        %dma_start3A_79 = tpu.memref_slice %arg15[%dma_start3A_77, %dma_start3A_78] : memref<10000x128xf32, #tpu.memory_space<vmem_shared>> -> memref<16x128xf32, #tpu.memory_space<vmem_shared>>
        %dma_start3A_80 = arith.constant 9984 : i32
        %dma_start3A_81 = arith.constant 0 : i32
        %dma_start3A_82 = tpu.memref_slice %arg15[%dma_start3A_80, %dma_start3A_81] : memref<10000x128xf32, #tpu.memory_space<vmem_shared>> -> memref<16x128xf32, #tpu.memory_space<vmem_shared>>
        %dma_start3A_83 = arith.constant 0 : i32
        %dma_start3A_84 = arith.constant 0 : i32
        %dma_start3A_85 = tpu.memref_slice %arg13[%dma_start3A_83, %dma_start3A_84] : memref<128x128xf32, #tpu.memory_space<vmem>> -> memref<16x128xf32, #tpu.memory_space<vmem>>
        tpu.enqueue_dma source(%dma_start3A_85 : memref<16x128xf32, #tpu.memory_space<vmem>>) target(%dma_start3A_82 : memref<16x128xf32, #tpu.memory_space<vmem_shared>>) target_semaphore(%run_scoped3A : memref<!tpu.dma_semaphore, #tpu.memory_space<semaphore_mem>>)
        %dma_wait3A_86 = arith.constant 0 : i32
        %dma_wait3A_87 = arith.constant 0 : i32
        %dma_wait3A_88 = tpu.memref_slice %arg13[%dma_wait3A_86, %dma_wait3A_87] : memref<128x128xf32, #tpu.memory_space<vmem>> -> memref<16x128xf32, #tpu.memory_space<vmem>>
        %dma_wait3A_89 = arith.constant 9984 : i32
        %dma_wait3A_90 = arith.constant 0 : i32
        %dma_wait3A_91 = tpu.memref_slice %arg15[%dma_wait3A_89, %dma_wait3A_90] : memref<10000x128xf32, #tpu.memory_space<vmem_shared>> -> memref<16x128xf32, #tpu.memory_space<vmem_shared>>
        %dma_wait3A_92 = arith.constant 9984 : i32
        %dma_wait3A_93 = arith.constant 0 : i32
        %dma_wait3A_94 = tpu.memref_slice %arg15[%dma_wait3A_92, %dma_wait3A_93] : memref<10000x128xf32, #tpu.memory_space<vmem_shared>> -> memref<16x128xf32, #tpu.memory_space<vmem_shared>>
        %dma_wait3A_95 = arith.constant 0 : i32
        %dma_wait3A_96 = arith.constant 0 : i32
        %dma_wait3A_97 = tpu.memref_slice %arg13[%dma_wait3A_95, %dma_wait3A_96] : memref<128x128xf32, #tpu.memory_space<vmem>> -> memref<16x128xf32, #tpu.memory_space<vmem>>
        tpu.wait_dma2 semaphore(%run_scoped3A : memref<!tpu.dma_semaphore, #tpu.memory_space<semaphore_mem>>) src(%dma_wait3A_97 : memref<16x128xf32, #tpu.memory_space<vmem>>) dst(%dma_wait3A_94 : memref<16x128xf32, #tpu.memory_space<vmem_shared>>)
        tpu.yield
      }) : () -> ()
    } else {
    }
    %dma_wait3A = tpu.memref_slice %arg3[%mul3A_12] : memref<640000xi32, #tpu.memory_space<hbm>> -> memref<128xi32, #tpu.memory_space<hbm>>
    %dma_wait3A_47 = tpu.memref_slice %arg3[%mul3A_12] : memref<640000xi32, #tpu.memory_space<hbm>> -> memref<128xi32, #tpu.memory_space<hbm>>
    tpu.wait_dma2 semaphore(%arg18 : memref<!tpu.dma_semaphore, #tpu.memory_space<semaphore_mem>>) src(%dma_wait3A_47 : memref<128xi32, #tpu.memory_space<hbm>>) dst(%arg5 : memref<128xi32, #tpu.memory_space<vmem>>)
    %add3A_48 = arith.constant 320000 : i32
    %add3A_49 = arith.addi %add3A_48, %mul3A_12 : i32
    %dma_wait3A_50 = arith.constant 0 : i32
    %dma_wait3A_51 = arith.constant 0 : i32
    %dma_wait3A_52 = tpu.memref_slice %arg9[%dma_wait3A_50, %dma_wait3A_51] : memref<1x128xi32, #tpu.memory_space<vmem>> -> memref<1x128xi32, #tpu.memory_space<vmem>>
    %dma_wait3A_53 = tpu.memref_squeeze %dma_wait3A_52 : memref<1x128xi32, #tpu.memory_space<vmem>> -> memref<128xi32, #tpu.memory_space<vmem>>
    %dma_wait3A_54 = tpu.memref_slice %arg3[%add3A_49] : memref<640000xi32, #tpu.memory_space<hbm>> -> memref<128xi32, #tpu.memory_space<hbm>>
    %dma_wait3A_55 = arith.constant 0 : i32
    %dma_wait3A_56 = tpu.memref_slice %arg9[%dma_wait3A_50, %dma_wait3A_55] : memref<1x128xi32, #tpu.memory_space<vmem>> -> memref<1x128xi32, #tpu.memory_space<vmem>>
    %dma_wait3A_57 = tpu.memref_squeeze %dma_wait3A_56 : memref<1x128xi32, #tpu.memory_space<vmem>> -> memref<128xi32, #tpu.memory_space<vmem>>
    %dma_wait3A_58 = tpu.memref_slice %arg3[%add3A_49] : memref<640000xi32, #tpu.memory_space<hbm>> -> memref<128xi32, #tpu.memory_space<hbm>>
    tpu.wait_dma2 semaphore(%arg18 : memref<!tpu.dma_semaphore, #tpu.memory_space<semaphore_mem>>) src(%dma_wait3A_58 : memref<128xi32, #tpu.memory_space<hbm>>) dst(%dma_wait3A_57 : memref<128xi32, #tpu.memory_space<vmem>>)
    %dma_start3A_59 = arith.constant 0 : i32
    %dma_start3A_60 = arith.constant 0 : i32
    %dma_start3A_61 = tpu.memref_slice %arg2[%dma_start3A_59, %dma_start3A_60] : memref<10000x128xf32, #tpu.memory_space<hbm>> -> memref<10000x128xf32, #tpu.memory_space<hbm>>
    tpu.enqueue_indirect_dma source(%dma_start3A_61 : memref<10000x128xf32, #tpu.memory_space<hbm>>) target(%arg13 : memref<128x128xf32, #tpu.memory_space<vmem>>) offsets(%arg5 : memref<128xi32, #tpu.memory_space<vmem>>) semaphore(%arg16 : memref<!tpu.dma_semaphore, #tpu.memory_space<semaphore_mem>>)
    %barrier3A = arith.constant 0 : index
    tpu.barrier barrier_id(%barrier3A)
    %scan3A_62 = arith.constant 0 : i32
    %scan3A_63 = arith.constant 0 : i32
    %scan3A_64 = arith.constant 20 : i32
    %scan3A_65 = arith.addi %scan3A_63, %scan3A_64 : i32
    %scan3A_66 = arith.constant 1 : i32
    scf.for %scan3A_74 = %scan3A_63 to %scan3A_65 step %scan3A_66  : i32 {
      %mul3A_75 = arith.constant 4 : i32
      %mul3A_76 = arith.muli %mul3A_75, %scan3A_74 : i32
      %add3A_77 = arith.constant 0 : i32
      %add3A_78 = arith.addi %mul3A_76, %add3A_77 : i32
      %lt3A_79 = arith.cmpi slt, %add3A_78, %add3A_6 : i32
      %convert_element_type3A_80 = arith.extui %lt3A_79 : i1 to i32
      %cond3A_81 = arith.constant 0 : i32
      %cond3A_82 = arith.cmpi ne, %convert_element_type3A_80, %cond3A_81 : i32
      scf.if %cond3A_82 {
        %dma_wait3A_107 = arith.constant 0 : i32
        %dma_wait3A_108 = arith.constant 0 : i32
        %dma_wait3A_109 = tpu.memref_slice %arg2[%dma_wait3A_107, %dma_wait3A_108] : memref<10000x128xf32, #tpu.memory_space<hbm>> -> memref<10000x128xf32, #tpu.memory_space<hbm>>
        tpu.wait_indirect_dma semaphore(%arg16 : memref<!tpu.dma_semaphore, #tpu.memory_space<semaphore_mem>>) src(%dma_wait3A_109 : memref<10000x128xf32, #tpu.memory_space<hbm>>) dst(%arg13 : memref<128x128xf32, #tpu.memory_space<vmem>>)
        %add3A_110 = arith.constant 2 : i32
        %add3A_111 = arith.addi %add3A_78, %add3A_110 : i32
        %lt3A_112 = arith.cmpi slt, %add3A_111, %add3A_6 : i32
        %convert_element_type3A_113 = arith.extui %lt3A_112 : i1 to i32
        %cond3A_114 = arith.constant 0 : i32
        %cond3A_115 = arith.cmpi ne, %convert_element_type3A_113, %cond3A_114 : i32
        scf.if %cond3A_115 {
          %add3A_122 = arith.addi %add3A_10, %add3A_78 : i32
          %add3A_123 = arith.constant 2 : i32
          %add3A_124 = arith.addi %add3A_122, %add3A_123 : i32
          %mul3A_125 = arith.constant 128 : i32
          %mul3A_126 = arith.muli %add3A_124, %mul3A_125 : i32
          %dma_start3A_127 = tpu.memref_slice %arg3[%mul3A_126] : memref<640000xi32, #tpu.memory_space<hbm>> -> memref<128xi32, #tpu.memory_space<hbm>>
          %dma_start3A_128 = tpu.memref_slice %arg3[%mul3A_126] : memref<640000xi32, #tpu.memory_space<hbm>> -> memref<128xi32, #tpu.memory_space<hbm>>
          tpu.enqueue_dma source(%dma_start3A_128 : memref<128xi32, #tpu.memory_space<hbm>>) target(%arg7 : memref<128xi32, #tpu.memory_space<vmem>>) target_semaphore(%arg20 : memref<!tpu.dma_semaphore, #tpu.memory_space<semaphore_mem>>)
          %add3A_129 = arith.constant 320000 : i32
          %add3A_130 = arith.addi %add3A_129, %mul3A_126 : i32
          %dma_start3A_131 = arith.constant 0 : i32
          %dma_start3A_132 = arith.constant 0 : i32
          %dma_start3A_133 = tpu.memref_slice %arg11[%dma_start3A_131, %dma_start3A_132] : memref<1x128xi32, #tpu.memory_space<vmem>> -> memref<1x128xi32, #tpu.memory_space<vmem>>
          %dma_start3A_134 = tpu.memref_squeeze %dma_start3A_133 : memref<1x128xi32, #tpu.memory_space<vmem>> -> memref<128xi32, #tpu.memory_space<vmem>>
          %dma_start3A_135 = tpu.memref_slice %arg3[%add3A_130] : memref<640000xi32, #tpu.memory_space<hbm>> -> memref<128xi32, #tpu.memory_space<hbm>>
          %dma_start3A_136 = arith.constant 0 : i32
          %dma_start3A_137 = tpu.memref_slice %arg11[%dma_start3A_131, %dma_start3A_136] : memref<1x128xi32, #tpu.memory_space<vmem>> -> memref<1x128xi32, #tpu.memory_space<vmem>>
          %dma_start3A_138 = tpu.memref_squeeze %dma_start3A_137 : memref<1x128xi32, #tpu.memory_space<vmem>> -> memref<128xi32, #tpu.memory_space<vmem>>
          %dma_start3A_139 = tpu.memref_slice %arg3[%add3A_130] : memref<640000xi32, #tpu.memory_space<hbm>> -> memref<128xi32, #tpu.memory_space<hbm>>
          tpu.enqueue_dma source(%dma_start3A_139 : memref<128xi32, #tpu.memory_space<hbm>>) target(%dma_start3A_138 : memref<128xi32, #tpu.memory_space<vmem>>) target_semaphore(%arg20 : memref<!tpu.dma_semaphore, #tpu.memory_space<semaphore_mem>>)
        } else {
        }
        %add3A_116 = arith.constant 1 : i32
        %add3A_117 = arith.addi %add3A_78, %add3A_116 : i32
        %lt3A_118 = arith.cmpi slt, %add3A_117, %add3A_6 : i32
        %convert_element_type3A_119 = arith.extui %lt3A_118 : i1 to i32
        %cond3A_120 = arith.constant 0 : i32
        %cond3A_121 = arith.cmpi ne, %convert_element_type3A_119, %cond3A_120 : i32
        scf.if %cond3A_121 {
          %add3A_122 = arith.addi %add3A_10, %add3A_78 : i32
          %add3A_123 = arith.constant 1 : i32
          %add3A_124 = arith.addi %add3A_122, %add3A_123 : i32
          %mul3A_125 = arith.constant 128 : i32
          %mul3A_126 = arith.muli %add3A_124, %mul3A_125 : i32
          %dma_wait3A_127 = tpu.memref_slice %arg3[%mul3A_126] : memref<640000xi32, #tpu.memory_space<hbm>> -> memref<128xi32, #tpu.memory_space<hbm>>
          %dma_wait3A_128 = tpu.memref_slice %arg3[%mul3A_126] : memref<640000xi32, #tpu.memory_space<hbm>> -> memref<128xi32, #tpu.memory_space<hbm>>
          tpu.wait_dma2 semaphore(%arg19 : memref<!tpu.dma_semaphore, #tpu.memory_space<semaphore_mem>>) src(%dma_wait3A_128 : memref<128xi32, #tpu.memory_space<hbm>>) dst(%arg6 : memref<128xi32, #tpu.memory_space<vmem>>)
          %add3A_129 = arith.constant 320000 : i32
          %add3A_130 = arith.addi %add3A_129, %mul3A_126 : i32
          %dma_wait3A_131 = arith.constant 0 : i32
          %dma_wait3A_132 = arith.constant 0 : i32
          %dma_wait3A_133 = tpu.memref_slice %arg10[%dma_wait3A_131, %dma_wait3A_132] : memref<1x128xi32, #tpu.memory_space<vmem>> -> memref<1x128xi32, #tpu.memory_space<vmem>>
          %dma_wait3A_134 = tpu.memref_squeeze %dma_wait3A_133 : memref<1x128xi32, #tpu.memory_space<vmem>> -> memref<128xi32, #tpu.memory_space<vmem>>
          %dma_wait3A_135 = tpu.memref_slice %arg3[%add3A_130] : memref<640000xi32, #tpu.memory_space<hbm>> -> memref<128xi32, #tpu.memory_space<hbm>>
          %dma_wait3A_136 = arith.constant 0 : i32
          %dma_wait3A_137 = tpu.memref_slice %arg10[%dma_wait3A_131, %dma_wait3A_136] : memref<1x128xi32, #tpu.memory_space<vmem>> -> memref<1x128xi32, #tpu.memory_space<vmem>>
          %dma_wait3A_138 = tpu.memref_squeeze %dma_wait3A_137 : memref<1x128xi32, #tpu.memory_space<vmem>> -> memref<128xi32, #tpu.memory_space<vmem>>
          %dma_wait3A_139 = tpu.memref_slice %arg3[%add3A_130] : memref<640000xi32, #tpu.memory_space<hbm>> -> memref<128xi32, #tpu.memory_space<hbm>>
          tpu.wait_dma2 semaphore(%arg19 : memref<!tpu.dma_semaphore, #tpu.memory_space<semaphore_mem>>) src(%dma_wait3A_139 : memref<128xi32, #tpu.memory_space<hbm>>) dst(%dma_wait3A_138 : memref<128xi32, #tpu.memory_space<vmem>>)
          %dma_start3A_140 = arith.constant 0 : i32
          %dma_start3A_141 = arith.constant 0 : i32
          %dma_start3A_142 = tpu.memref_slice %arg2[%dma_start3A_140, %dma_start3A_141] : memref<10000x128xf32, #tpu.memory_space<hbm>> -> memref<10000x128xf32, #tpu.memory_space<hbm>>
          tpu.enqueue_indirect_dma source(%dma_start3A_142 : memref<10000x128xf32, #tpu.memory_space<hbm>>) target(%arg14 : memref<128x128xf32, #tpu.memory_space<vmem>>) offsets(%arg6 : memref<128xi32, #tpu.memory_space<vmem>>) semaphore(%arg17 : memref<!tpu.dma_semaphore, #tpu.memory_space<semaphore_mem>>)
        } else {
        }
        %run_scoped3A = arith.constant 0 : i32
        "tpu.region"() ({
          %run_scoped3A_122 = tpu.sem_alloc : memref<!tpu.dma_semaphore, #tpu.memory_space<semaphore_mem>>
          %dma_start3A_123 = arith.constant 0 : i32
          %dma_start3A_124 = tpu.memref_slice %arg9[%run_scoped3A, %dma_start3A_123] : memref<1x128xi32, #tpu.memory_space<vmem>> -> memref<1x128xi32, #tpu.memory_space<vmem>>
          %dma_start3A_125 = tpu.memref_squeeze %dma_start3A_124 : memref<1x128xi32, #tpu.memory_space<vmem>> -> memref<128xi32, #tpu.memory_space<vmem>>
          %dma_start3A_126 = arith.constant 0 : i32
          %dma_start3A_127 = arith.constant 0 : i32
          %dma_start3A_128 = tpu.memref_slice %arg15[%dma_start3A_126, %dma_start3A_127] : memref<10000x128xf32, #tpu.memory_space<vmem_shared>> -> memref<10000x128xf32, #tpu.memory_space<vmem_shared>>
          tpu.enqueue_indirect_dma source(%arg13 : memref<128x128xf32, #tpu.memory_space<vmem>>) target(%dma_start3A_128 : memref<10000x128xf32, #tpu.memory_space<vmem_shared>>) offsets(%dma_start3A_125 : memref<128xi32, #tpu.memory_space<vmem>>) semaphore(%run_scoped3A_122 : memref<!tpu.dma_semaphore, #tpu.memory_space<semaphore_mem>>) {add = true}
          %dma_wait3A_129 = arith.constant 0 : i32
          %dma_wait3A_130 = tpu.memref_slice %arg9[%run_scoped3A, %dma_wait3A_129] : memref<1x128xi32, #tpu.memory_space<vmem>> -> memref<1x128xi32, #tpu.memory_space<vmem>>
          %dma_wait3A_131 = tpu.memref_squeeze %dma_wait3A_130 : memref<1x128xi32, #tpu.memory_space<vmem>> -> memref<128xi32, #tpu.memory_space<vmem>>
          %dma_wait3A_132 = arith.constant 0 : i32
          %dma_wait3A_133 = arith.constant 0 : i32
          %dma_wait3A_134 = tpu.memref_slice %arg15[%dma_wait3A_132, %dma_wait3A_133] : memref<10000x128xf32, #tpu.memory_space<vmem_shared>> -> memref<10000x128xf32, #tpu.memory_space<vmem_shared>>
          tpu.wait_indirect_dma semaphore(%run_scoped3A_122 : memref<!tpu.dma_semaphore, #tpu.memory_space<semaphore_mem>>) src(%arg13 : memref<128x128xf32, #tpu.memory_space<vmem>>) dst(%dma_wait3A_134 : memref<10000x128xf32, #tpu.memory_space<vmem_shared>>)
          tpu.yield
        }) : () -> ()
      } else {
      }
      %mul3A_83 = arith.constant 4 : i32
      %mul3A_84 = arith.muli %mul3A_83, %scan3A_74 : i32
      %add3A_85 = arith.constant 1 : i32
      %add3A_86 = arith.addi %mul3A_84, %add3A_85 : i32
      %lt3A_87 = arith.cmpi slt, %add3A_86, %add3A_6 : i32
      %convert_element_type3A_88 = arith.extui %lt3A_87 : i1 to i32
      %cond3A_89 = arith.constant 0 : i32
      %cond3A_90 = arith.cmpi ne, %convert_element_type3A_88, %cond3A_89 : i32
      scf.if %cond3A_90 {
        %dma_wait3A_107 = arith.constant 0 : i32
        %dma_wait3A_108 = arith.constant 0 : i32
        %dma_wait3A_109 = tpu.memref_slice %arg2[%dma_wait3A_107, %dma_wait3A_108] : memref<10000x128xf32, #tpu.memory_space<hbm>> -> memref<10000x128xf32, #tpu.memory_space<hbm>>
        tpu.wait_indirect_dma semaphore(%arg17 : memref<!tpu.dma_semaphore, #tpu.memory_space<semaphore_mem>>) src(%dma_wait3A_109 : memref<10000x128xf32, #tpu.memory_space<hbm>>) dst(%arg14 : memref<128x128xf32, #tpu.memory_space<vmem>>)
        %add3A_110 = arith.constant 2 : i32
        %add3A_111 = arith.addi %add3A_86, %add3A_110 : i32
        %lt3A_112 = arith.cmpi slt, %add3A_111, %add3A_6 : i32
        %convert_element_type3A_113 = arith.extui %lt3A_112 : i1 to i32
        %cond3A_114 = arith.constant 0 : i32
        %cond3A_115 = arith.cmpi ne, %convert_element_type3A_113, %cond3A_114 : i32
        scf.if %cond3A_115 {
          %add3A_122 = arith.addi %add3A_10, %add3A_86 : i32
          %add3A_123 = arith.constant 2 : i32
          %add3A_124 = arith.addi %add3A_122, %add3A_123 : i32
          %mul3A_125 = arith.constant 128 : i32
          %mul3A_126 = arith.muli %add3A_124, %mul3A_125 : i32
          %dma_start3A_127 = tpu.memref_slice %arg3[%mul3A_126] : memref<640000xi32, #tpu.memory_space<hbm>> -> memref<128xi32, #tpu.memory_space<hbm>>
          %dma_start3A_128 = tpu.memref_slice %arg3[%mul3A_126] : memref<640000xi32, #tpu.memory_space<hbm>> -> memref<128xi32, #tpu.memory_space<hbm>>
          tpu.enqueue_dma source(%dma_start3A_128 : memref<128xi32, #tpu.memory_space<hbm>>) target(%arg8 : memref<128xi32, #tpu.memory_space<vmem>>) target_semaphore(%arg21 : memref<!tpu.dma_semaphore, #tpu.memory_space<semaphore_mem>>)
          %add3A_129 = arith.constant 320000 : i32
          %add3A_130 = arith.addi %add3A_129, %mul3A_126 : i32
          %dma_start3A_131 = arith.constant 0 : i32
          %dma_start3A_132 = arith.constant 0 : i32
          %dma_start3A_133 = tpu.memref_slice %arg12[%dma_start3A_131, %dma_start3A_132] : memref<1x128xi32, #tpu.memory_space<vmem>> -> memref<1x128xi32, #tpu.memory_space<vmem>>
          %dma_start3A_134 = tpu.memref_squeeze %dma_start3A_133 : memref<1x128xi32, #tpu.memory_space<vmem>> -> memref<128xi32, #tpu.memory_space<vmem>>
          %dma_start3A_135 = tpu.memref_slice %arg3[%add3A_130] : memref<640000xi32, #tpu.memory_space<hbm>> -> memref<128xi32, #tpu.memory_space<hbm>>
          %dma_start3A_136 = arith.constant 0 : i32
          %dma_start3A_137 = tpu.memref_slice %arg12[%dma_start3A_131, %dma_start3A_136] : memref<1x128xi32, #tpu.memory_space<vmem>> -> memref<1x128xi32, #tpu.memory_space<vmem>>
          %dma_start3A_138 = tpu.memref_squeeze %dma_start3A_137 : memref<1x128xi32, #tpu.memory_space<vmem>> -> memref<128xi32, #tpu.memory_space<vmem>>
          %dma_start3A_139 = tpu.memref_slice %arg3[%add3A_130] : memref<640000xi32, #tpu.memory_space<hbm>> -> memref<128xi32, #tpu.memory_space<hbm>>
          tpu.enqueue_dma source(%dma_start3A_139 : memref<128xi32, #tpu.memory_space<hbm>>) target(%dma_start3A_138 : memref<128xi32, #tpu.memory_space<vmem>>) target_semaphore(%arg21 : memref<!tpu.dma_semaphore, #tpu.memory_space<semaphore_mem>>)
        } else {
        }
        %add3A_116 = arith.constant 1 : i32
        %add3A_117 = arith.addi %add3A_86, %add3A_116 : i32
        %lt3A_118 = arith.cmpi slt, %add3A_117, %add3A_6 : i32
        %convert_element_type3A_119 = arith.extui %lt3A_118 : i1 to i32
        %cond3A_120 = arith.constant 0 : i32
        %cond3A_121 = arith.cmpi ne, %convert_element_type3A_119, %cond3A_120 : i32
        scf.if %cond3A_121 {
          %add3A_122 = arith.addi %add3A_10, %add3A_86 : i32
          %add3A_123 = arith.constant 1 : i32
          %add3A_124 = arith.addi %add3A_122, %add3A_123 : i32
          %mul3A_125 = arith.constant 128 : i32
          %mul3A_126 = arith.muli %add3A_124, %mul3A_125 : i32
          %dma_wait3A_127 = tpu.memref_slice %arg3[%mul3A_126] : memref<640000xi32, #tpu.memory_space<hbm>> -> memref<128xi32, #tpu.memory_space<hbm>>
          %dma_wait3A_128 = tpu.memref_slice %arg3[%mul3A_126] : memref<640000xi32, #tpu.memory_space<hbm>> -> memref<128xi32, #tpu.memory_space<hbm>>
          tpu.wait_dma2 semaphore(%arg20 : memref<!tpu.dma_semaphore, #tpu.memory_space<semaphore_mem>>) src(%dma_wait3A_128 : memref<128xi32, #tpu.memory_space<hbm>>) dst(%arg7 : memref<128xi32, #tpu.memory_space<vmem>>)
          %add3A_129 = arith.constant 320000 : i32
          %add3A_130 = arith.addi %add3A_129, %mul3A_126 : i32
          %dma_wait3A_131 = arith.constant 0 : i32
          %dma_wait3A_132 = arith.constant 0 : i32
          %dma_wait3A_133 = tpu.memref_slice %arg11[%dma_wait3A_131, %dma_wait3A_132] : memref<1x128xi32, #tpu.memory_space<vmem>> -> memref<1x128xi32, #tpu.memory_space<vmem>>
          %dma_wait3A_134 = tpu.memref_squeeze %dma_wait3A_133 : memref<1x128xi32, #tpu.memory_space<vmem>> -> memref<128xi32, #tpu.memory_space<vmem>>
          %dma_wait3A_135 = tpu.memref_slice %arg3[%add3A_130] : memref<640000xi32, #tpu.memory_space<hbm>> -> memref<128xi32, #tpu.memory_space<hbm>>
          %dma_wait3A_136 = arith.constant 0 : i32
          %dma_wait3A_137 = tpu.memref_slice %arg11[%dma_wait3A_131, %dma_wait3A_136] : memref<1x128xi32, #tpu.memory_space<vmem>> -> memref<1x128xi32, #tpu.memory_space<vmem>>
          %dma_wait3A_138 = tpu.memref_squeeze %dma_wait3A_137 : memref<1x128xi32, #tpu.memory_space<vmem>> -> memref<128xi32, #tpu.memory_space<vmem>>
          %dma_wait3A_139 = tpu.memref_slice %arg3[%add3A_130] : memref<640000xi32, #tpu.memory_space<hbm>> -> memref<128xi32, #tpu.memory_space<hbm>>
          tpu.wait_dma2 semaphore(%arg20 : memref<!tpu.dma_semaphore, #tpu.memory_space<semaphore_mem>>) src(%dma_wait3A_139 : memref<128xi32, #tpu.memory_space<hbm>>) dst(%dma_wait3A_138 : memref<128xi32, #tpu.memory_space<vmem>>)
          %dma_start3A_140 = arith.constant 0 : i32
          %dma_start3A_141 = arith.constant 0 : i32
          %dma_start3A_142 = tpu.memref_slice %arg2[%dma_start3A_140, %dma_start3A_141] : memref<10000x128xf32, #tpu.memory_space<hbm>> -> memref<10000x128xf32, #tpu.memory_space<hbm>>
          tpu.enqueue_indirect_dma source(%dma_start3A_142 : memref<10000x128xf32, #tpu.memory_space<hbm>>) target(%arg13 : memref<128x128xf32, #tpu.memory_space<vmem>>) offsets(%arg7 : memref<128xi32, #tpu.memory_space<vmem>>) semaphore(%arg16 : memref<!tpu.dma_semaphore, #tpu.memory_space<semaphore_mem>>)
        } else {
        }
        %run_scoped3A = arith.constant 0 : i32
        "tpu.region"() ({
          %run_scoped3A_122 = tpu.sem_alloc : memref<!tpu.dma_semaphore, #tpu.memory_space<semaphore_mem>>
          %dma_start3A_123 = arith.constant 0 : i32
          %dma_start3A_124 = tpu.memref_slice %arg10[%run_scoped3A, %dma_start3A_123] : memref<1x128xi32, #tpu.memory_space<vmem>> -> memref<1x128xi32, #tpu.memory_space<vmem>>
          %dma_start3A_125 = tpu.memref_squeeze %dma_start3A_124 : memref<1x128xi32, #tpu.memory_space<vmem>> -> memref<128xi32, #tpu.memory_space<vmem>>
          %dma_start3A_126 = arith.constant 0 : i32
          %dma_start3A_127 = arith.constant 0 : i32
          %dma_start3A_128 = tpu.memref_slice %arg15[%dma_start3A_126, %dma_start3A_127] : memref<10000x128xf32, #tpu.memory_space<vmem_shared>> -> memref<10000x128xf32, #tpu.memory_space<vmem_shared>>
          tpu.enqueue_indirect_dma source(%arg14 : memref<128x128xf32, #tpu.memory_space<vmem>>) target(%dma_start3A_128 : memref<10000x128xf32, #tpu.memory_space<vmem_shared>>) offsets(%dma_start3A_125 : memref<128xi32, #tpu.memory_space<vmem>>) semaphore(%run_scoped3A_122 : memref<!tpu.dma_semaphore, #tpu.memory_space<semaphore_mem>>) {add = true}
          %dma_wait3A_129 = arith.constant 0 : i32
          %dma_wait3A_130 = tpu.memref_slice %arg10[%run_scoped3A, %dma_wait3A_129] : memref<1x128xi32, #tpu.memory_space<vmem>> -> memref<1x128xi32, #tpu.memory_space<vmem>>
          %dma_wait3A_131 = tpu.memref_squeeze %dma_wait3A_130 : memref<1x128xi32, #tpu.memory_space<vmem>> -> memref<128xi32, #tpu.memory_space<vmem>>
          %dma_wait3A_132 = arith.constant 0 : i32
          %dma_wait3A_133 = arith.constant 0 : i32
          %dma_wait3A_134 = tpu.memref_slice %arg15[%dma_wait3A_132, %dma_wait3A_133] : memref<10000x128xf32, #tpu.memory_space<vmem_shared>> -> memref<10000x128xf32, #tpu.memory_space<vmem_shared>>
          tpu.wait_indirect_dma semaphore(%run_scoped3A_122 : memref<!tpu.dma_semaphore, #tpu.memory_space<semaphore_mem>>) src(%arg14 : memref<128x128xf32, #tpu.memory_space<vmem>>) dst(%dma_wait3A_134 : memref<10000x128xf32, #tpu.memory_space<vmem_shared>>)
          tpu.yield
        }) : () -> ()
      } else {
      }
      %mul3A_91 = arith.constant 4 : i32
      %mul3A_92 = arith.muli %mul3A_91, %scan3A_74 : i32
      %add3A_93 = arith.constant 2 : i32
      %add3A_94 = arith.addi %mul3A_92, %add3A_93 : i32
      %lt3A_95 = arith.cmpi slt, %add3A_94, %add3A_6 : i32
      %convert_element_type3A_96 = arith.extui %lt3A_95 : i1 to i32
      %cond3A_97 = arith.constant 0 : i32
      %cond3A_98 = arith.cmpi ne, %convert_element_type3A_96, %cond3A_97 : i32
      scf.if %cond3A_98 {
        %dma_wait3A_107 = arith.constant 0 : i32
        %dma_wait3A_108 = arith.constant 0 : i32
        %dma_wait3A_109 = tpu.memref_slice %arg2[%dma_wait3A_107, %dma_wait3A_108] : memref<10000x128xf32, #tpu.memory_space<hbm>> -> memref<10000x128xf32, #tpu.memory_space<hbm>>
        tpu.wait_indirect_dma semaphore(%arg16 : memref<!tpu.dma_semaphore, #tpu.memory_space<semaphore_mem>>) src(%dma_wait3A_109 : memref<10000x128xf32, #tpu.memory_space<hbm>>) dst(%arg13 : memref<128x128xf32, #tpu.memory_space<vmem>>)
        %add3A_110 = arith.constant 2 : i32
        %add3A_111 = arith.addi %add3A_94, %add3A_110 : i32
        %lt3A_112 = arith.cmpi slt, %add3A_111, %add3A_6 : i32
        %convert_element_type3A_113 = arith.extui %lt3A_112 : i1 to i32
        %cond3A_114 = arith.constant 0 : i32
        %cond3A_115 = arith.cmpi ne, %convert_element_type3A_113, %cond3A_114 : i32
        scf.if %cond3A_115 {
          %add3A_122 = arith.addi %add3A_10, %add3A_94 : i32
          %add3A_123 = arith.constant 2 : i32
          %add3A_124 = arith.addi %add3A_122, %add3A_123 : i32
          %mul3A_125 = arith.constant 128 : i32
          %mul3A_126 = arith.muli %add3A_124, %mul3A_125 : i32
          %dma_start3A_127 = tpu.memref_slice %arg3[%mul3A_126] : memref<640000xi32, #tpu.memory_space<hbm>> -> memref<128xi32, #tpu.memory_space<hbm>>
          %dma_start3A_128 = tpu.memref_slice %arg3[%mul3A_126] : memref<640000xi32, #tpu.memory_space<hbm>> -> memref<128xi32, #tpu.memory_space<hbm>>
          tpu.enqueue_dma source(%dma_start3A_128 : memref<128xi32, #tpu.memory_space<hbm>>) target(%arg5 : memref<128xi32, #tpu.memory_space<vmem>>) target_semaphore(%arg18 : memref<!tpu.dma_semaphore, #tpu.memory_space<semaphore_mem>>)
          %add3A_129 = arith.constant 320000 : i32
          %add3A_130 = arith.addi %add3A_129, %mul3A_126 : i32
          %dma_start3A_131 = arith.constant 0 : i32
          %dma_start3A_132 = arith.constant 0 : i32
          %dma_start3A_133 = tpu.memref_slice %arg9[%dma_start3A_131, %dma_start3A_132] : memref<1x128xi32, #tpu.memory_space<vmem>> -> memref<1x128xi32, #tpu.memory_space<vmem>>
          %dma_start3A_134 = tpu.memref_squeeze %dma_start3A_133 : memref<1x128xi32, #tpu.memory_space<vmem>> -> memref<128xi32, #tpu.memory_space<vmem>>
          %dma_start3A_135 = tpu.memref_slice %arg3[%add3A_130] : memref<640000xi32, #tpu.memory_space<hbm>> -> memref<128xi32, #tpu.memory_space<hbm>>
          %dma_start3A_136 = arith.constant 0 : i32
          %dma_start3A_137 = tpu.memref_slice %arg9[%dma_start3A_131, %dma_start3A_136] : memref<1x128xi32, #tpu.memory_space<vmem>> -> memref<1x128xi32, #tpu.memory_space<vmem>>
          %dma_start3A_138 = tpu.memref_squeeze %dma_start3A_137 : memref<1x128xi32, #tpu.memory_space<vmem>> -> memref<128xi32, #tpu.memory_space<vmem>>
          %dma_start3A_139 = tpu.memref_slice %arg3[%add3A_130] : memref<640000xi32, #tpu.memory_space<hbm>> -> memref<128xi32, #tpu.memory_space<hbm>>
          tpu.enqueue_dma source(%dma_start3A_139 : memref<128xi32, #tpu.memory_space<hbm>>) target(%dma_start3A_138 : memref<128xi32, #tpu.memory_space<vmem>>) target_semaphore(%arg18 : memref<!tpu.dma_semaphore, #tpu.memory_space<semaphore_mem>>)
        } else {
        }
        %add3A_116 = arith.constant 1 : i32
        %add3A_117 = arith.addi %add3A_94, %add3A_116 : i32
        %lt3A_118 = arith.cmpi slt, %add3A_117, %add3A_6 : i32
        %convert_element_type3A_119 = arith.extui %lt3A_118 : i1 to i32
        %cond3A_120 = arith.constant 0 : i32
        %cond3A_121 = arith.cmpi ne, %convert_element_type3A_119, %cond3A_120 : i32
        scf.if %cond3A_121 {
          %add3A_122 = arith.addi %add3A_10, %add3A_94 : i32
          %add3A_123 = arith.constant 1 : i32
          %add3A_124 = arith.addi %add3A_122, %add3A_123 : i32
          %mul3A_125 = arith.constant 128 : i32
          %mul3A_126 = arith.muli %add3A_124, %mul3A_125 : i32
          %dma_wait3A_127 = tpu.memref_slice %arg3[%mul3A_126] : memref<640000xi32, #tpu.memory_space<hbm>> -> memref<128xi32, #tpu.memory_space<hbm>>
          %dma_wait3A_128 = tpu.memref_slice %arg3[%mul3A_126] : memref<640000xi32, #tpu.memory_space<hbm>> -> memref<128xi32, #tpu.memory_space<hbm>>
          tpu.wait_dma2 semaphore(%arg21 : memref<!tpu.dma_semaphore, #tpu.memory_space<semaphore_mem>>) src(%dma_wait3A_128 : memref<128xi32, #tpu.memory_space<hbm>>) dst(%arg8 : memref<128xi32, #tpu.memory_space<vmem>>)
          %add3A_129 = arith.constant 320000 : i32
          %add3A_130 = arith.addi %add3A_129, %mul3A_126 : i32
          %dma_wait3A_131 = arith.constant 0 : i32
          %dma_wait3A_132 = arith.constant 0 : i32
          %dma_wait3A_133 = tpu.memref_slice %arg12[%dma_wait3A_131, %dma_wait3A_132] : memref<1x128xi32, #tpu.memory_space<vmem>> -> memref<1x128xi32, #tpu.memory_space<vmem>>
          %dma_wait3A_134 = tpu.memref_squeeze %dma_wait3A_133 : memref<1x128xi32, #tpu.memory_space<vmem>> -> memref<128xi32, #tpu.memory_space<vmem>>
          %dma_wait3A_135 = tpu.memref_slice %arg3[%add3A_130] : memref<640000xi32, #tpu.memory_space<hbm>> -> memref<128xi32, #tpu.memory_space<hbm>>
          %dma_wait3A_136 = arith.constant 0 : i32
          %dma_wait3A_137 = tpu.memref_slice %arg12[%dma_wait3A_131, %dma_wait3A_136] : memref<1x128xi32, #tpu.memory_space<vmem>> -> memref<1x128xi32, #tpu.memory_space<vmem>>
          %dma_wait3A_138 = tpu.memref_squeeze %dma_wait3A_137 : memref<1x128xi32, #tpu.memory_space<vmem>> -> memref<128xi32, #tpu.memory_space<vmem>>
          %dma_wait3A_139 = tpu.memref_slice %arg3[%add3A_130] : memref<640000xi32, #tpu.memory_space<hbm>> -> memref<128xi32, #tpu.memory_space<hbm>>
          tpu.wait_dma2 semaphore(%arg21 : memref<!tpu.dma_semaphore, #tpu.memory_space<semaphore_mem>>) src(%dma_wait3A_139 : memref<128xi32, #tpu.memory_space<hbm>>) dst(%dma_wait3A_138 : memref<128xi32, #tpu.memory_space<vmem>>)
          %dma_start3A_140 = arith.constant 0 : i32
          %dma_start3A_141 = arith.constant 0 : i32
          %dma_start3A_142 = tpu.memref_slice %arg2[%dma_start3A_140, %dma_start3A_141] : memref<10000x128xf32, #tpu.memory_space<hbm>> -> memref<10000x128xf32, #tpu.memory_space<hbm>>
          tpu.enqueue_indirect_dma source(%dma_start3A_142 : memref<10000x128xf32, #tpu.memory_space<hbm>>) target(%arg14 : memref<128x128xf32, #tpu.memory_space<vmem>>) offsets(%arg8 : memref<128xi32, #tpu.memory_space<vmem>>) semaphore(%arg17 : memref<!tpu.dma_semaphore, #tpu.memory_space<semaphore_mem>>)
        } else {
        }
        %run_scoped3A = arith.constant 0 : i32
        "tpu.region"() ({
          %run_scoped3A_122 = tpu.sem_alloc : memref<!tpu.dma_semaphore, #tpu.memory_space<semaphore_mem>>
          %dma_start3A_123 = arith.constant 0 : i32
          %dma_start3A_124 = tpu.memref_slice %arg11[%run_scoped3A, %dma_start3A_123] : memref<1x128xi32, #tpu.memory_space<vmem>> -> memref<1x128xi32, #tpu.memory_space<vmem>>
          %dma_start3A_125 = tpu.memref_squeeze %dma_start3A_124 : memref<1x128xi32, #tpu.memory_space<vmem>> -> memref<128xi32, #tpu.memory_space<vmem>>
          %dma_start3A_126 = arith.constant 0 : i32
          %dma_start3A_127 = arith.constant 0 : i32
          %dma_start3A_128 = tpu.memref_slice %arg15[%dma_start3A_126, %dma_start3A_127] : memref<10000x128xf32, #tpu.memory_space<vmem_shared>> -> memref<10000x128xf32, #tpu.memory_space<vmem_shared>>
          tpu.enqueue_indirect_dma source(%arg13 : memref<128x128xf32, #tpu.memory_space<vmem>>) target(%dma_start3A_128 : memref<10000x128xf32, #tpu.memory_space<vmem_shared>>) offsets(%dma_start3A_125 : memref<128xi32, #tpu.memory_space<vmem>>) semaphore(%run_scoped3A_122 : memref<!tpu.dma_semaphore, #tpu.memory_space<semaphore_mem>>) {add = true}
          %dma_wait3A_129 = arith.constant 0 : i32
          %dma_wait3A_130 = tpu.memref_slice %arg11[%run_scoped3A, %dma_wait3A_129] : memref<1x128xi32, #tpu.memory_space<vmem>> -> memref<1x128xi32, #tpu.memory_space<vmem>>
          %dma_wait3A_131 = tpu.memref_squeeze %dma_wait3A_130 : memref<1x128xi32, #tpu.memory_space<vmem>> -> memref<128xi32, #tpu.memory_space<vmem>>
          %dma_wait3A_132 = arith.constant 0 : i32
          %dma_wait3A_133 = arith.constant 0 : i32
          %dma_wait3A_134 = tpu.memref_slice %arg15[%dma_wait3A_132, %dma_wait3A_133] : memref<10000x128xf32, #tpu.memory_space<vmem_shared>> -> memref<10000x128xf32, #tpu.memory_space<vmem_shared>>
          tpu.wait_indirect_dma semaphore(%run_scoped3A_122 : memref<!tpu.dma_semaphore, #tpu.memory_space<semaphore_mem>>) src(%arg13 : memref<128x128xf32, #tpu.memory_space<vmem>>) dst(%dma_wait3A_134 : memref<10000x128xf32, #tpu.memory_space<vmem_shared>>)
          tpu.yield
        }) : () -> ()
      } else {
      }
      %mul3A_99 = arith.constant 4 : i32
      %mul3A_100 = arith.muli %mul3A_99, %scan3A_74 : i32
      %add3A_101 = arith.constant 3 : i32
      %add3A_102 = arith.addi %mul3A_100, %add3A_101 : i32
      %lt3A_103 = arith.cmpi slt, %add3A_102, %add3A_6 : i32
      %convert_element_type3A_104 = arith.extui %lt3A_103 : i1 to i32
      %cond3A_105 = arith.constant 0 : i32
      %cond3A_106 = arith.cmpi ne, %convert_element_type3A_104, %cond3A_105 : i32
      scf.if %cond3A_106 {
        %dma_wait3A_107 = arith.constant 0 : i32
        %dma_wait3A_108 = arith.constant 0 : i32
        %dma_wait3A_109 = tpu.memref_slice %arg2[%dma_wait3A_107, %dma_wait3A_108] : memref<10000x128xf32, #tpu.memory_space<hbm>> -> memref<10000x128xf32, #tpu.memory_space<hbm>>
        tpu.wait_indirect_dma semaphore(%arg17 : memref<!tpu.dma_semaphore, #tpu.memory_space<semaphore_mem>>) src(%dma_wait3A_109 : memref<10000x128xf32, #tpu.memory_space<hbm>>) dst(%arg14 : memref<128x128xf32, #tpu.memory_space<vmem>>)
        %add3A_110 = arith.constant 2 : i32
        %add3A_111 = arith.addi %add3A_102, %add3A_110 : i32
        %lt3A_112 = arith.cmpi slt, %add3A_111, %add3A_6 : i32
        %convert_element_type3A_113 = arith.extui %lt3A_112 : i1 to i32
        %cond3A_114 = arith.constant 0 : i32
        %cond3A_115 = arith.cmpi ne, %convert_element_type3A_113, %cond3A_114 : i32
        scf.if %cond3A_115 {
          %add3A_122 = arith.addi %add3A_10, %add3A_102 : i32
          %add3A_123 = arith.constant 2 : i32
          %add3A_124 = arith.addi %add3A_122, %add3A_123 : i32
          %mul3A_125 = arith.constant 128 : i32
          %mul3A_126 = arith.muli %add3A_124, %mul3A_125 : i32
          %dma_start3A_127 = tpu.memref_slice %arg3[%mul3A_126] : memref<640000xi32, #tpu.memory_space<hbm>> -> memref<128xi32, #tpu.memory_space<hbm>>
          %dma_start3A_128 = tpu.memref_slice %arg3[%mul3A_126] : memref<640000xi32, #tpu.memory_space<hbm>> -> memref<128xi32, #tpu.memory_space<hbm>>
          tpu.enqueue_dma source(%dma_start3A_128 : memref<128xi32, #tpu.memory_space<hbm>>) target(%arg6 : memref<128xi32, #tpu.memory_space<vmem>>) target_semaphore(%arg19 : memref<!tpu.dma_semaphore, #tpu.memory_space<semaphore_mem>>)
          %add3A_129 = arith.constant 320000 : i32
          %add3A_130 = arith.addi %add3A_129, %mul3A_126 : i32
          %dma_start3A_131 = arith.constant 0 : i32
          %dma_start3A_132 = arith.constant 0 : i32
          %dma_start3A_133 = tpu.memref_slice %arg10[%dma_start3A_131, %dma_start3A_132] : memref<1x128xi32, #tpu.memory_space<vmem>> -> memref<1x128xi32, #tpu.memory_space<vmem>>
          %dma_start3A_134 = tpu.memref_squeeze %dma_start3A_133 : memref<1x128xi32, #tpu.memory_space<vmem>> -> memref<128xi32, #tpu.memory_space<vmem>>
          %dma_start3A_135 = tpu.memref_slice %arg3[%add3A_130] : memref<640000xi32, #tpu.memory_space<hbm>> -> memref<128xi32, #tpu.memory_space<hbm>>
          %dma_start3A_136 = arith.constant 0 : i32
          %dma_start3A_137 = tpu.memref_slice %arg10[%dma_start3A_131, %dma_start3A_136] : memref<1x128xi32, #tpu.memory_space<vmem>> -> memref<1x128xi32, #tpu.memory_space<vmem>>
          %dma_start3A_138 = tpu.memref_squeeze %dma_start3A_137 : memref<1x128xi32, #tpu.memory_space<vmem>> -> memref<128xi32, #tpu.memory_space<vmem>>
          %dma_start3A_139 = tpu.memref_slice %arg3[%add3A_130] : memref<640000xi32, #tpu.memory_space<hbm>> -> memref<128xi32, #tpu.memory_space<hbm>>
          tpu.enqueue_dma source(%dma_start3A_139 : memref<128xi32, #tpu.memory_space<hbm>>) target(%dma_start3A_138 : memref<128xi32, #tpu.memory_space<vmem>>) target_semaphore(%arg19 : memref<!tpu.dma_semaphore, #tpu.memory_space<semaphore_mem>>)
        } else {
        }
        %add3A_116 = arith.constant 1 : i32
        %add3A_117 = arith.addi %add3A_102, %add3A_116 : i32
        %lt3A_118 = arith.cmpi slt, %add3A_117, %add3A_6 : i32
        %convert_element_type3A_119 = arith.extui %lt3A_118 : i1 to i32
        %cond3A_120 = arith.constant 0 : i32
        %cond3A_121 = arith.cmpi ne, %convert_element_type3A_119, %cond3A_120 : i32
        scf.if %cond3A_121 {
          %add3A_122 = arith.addi %add3A_10, %add3A_102 : i32
          %add3A_123 = arith.constant 1 : i32
          %add3A_124 = arith.addi %add3A_122, %add3A_123 : i32
          %mul3A_125 = arith.constant 128 : i32
          %mul3A_126 = arith.muli %add3A_124, %mul3A_125 : i32
          %dma_wait3A_127 = tpu.memref_slice %arg3[%mul3A_126] : memref<640000xi32, #tpu.memory_space<hbm>> -> memref<128xi32, #tpu.memory_space<hbm>>
          %dma_wait3A_128 = tpu.memref_slice %arg3[%mul3A_126] : memref<640000xi32, #tpu.memory_space<hbm>> -> memref<128xi32, #tpu.memory_space<hbm>>
          tpu.wait_dma2 semaphore(%arg18 : memref<!tpu.dma_semaphore, #tpu.memory_space<semaphore_mem>>) src(%dma_wait3A_128 : memref<128xi32, #tpu.memory_space<hbm>>) dst(%arg5 : memref<128xi32, #tpu.memory_space<vmem>>)
          %add3A_129 = arith.constant 320000 : i32
          %add3A_130 = arith.addi %add3A_129, %mul3A_126 : i32
          %dma_wait3A_131 = arith.constant 0 : i32
          %dma_wait3A_132 = arith.constant 0 : i32
          %dma_wait3A_133 = tpu.memref_slice %arg9[%dma_wait3A_131, %dma_wait3A_132] : memref<1x128xi32, #tpu.memory_space<vmem>> -> memref<1x128xi32, #tpu.memory_space<vmem>>
          %dma_wait3A_134 = tpu.memref_squeeze %dma_wait3A_133 : memref<1x128xi32, #tpu.memory_space<vmem>> -> memref<128xi32, #tpu.memory_space<vmem>>
          %dma_wait3A_135 = tpu.memref_slice %arg3[%add3A_130] : memref<640000xi32, #tpu.memory_space<hbm>> -> memref<128xi32, #tpu.memory_space<hbm>>
          %dma_wait3A_136 = arith.constant 0 : i32
          %dma_wait3A_137 = tpu.memref_slice %arg9[%dma_wait3A_131, %dma_wait3A_136] : memref<1x128xi32, #tpu.memory_space<vmem>> -> memref<1x128xi32, #tpu.memory_space<vmem>>
          %dma_wait3A_138 = tpu.memref_squeeze %dma_wait3A_137 : memref<1x128xi32, #tpu.memory_space<vmem>> -> memref<128xi32, #tpu.memory_space<vmem>>
          %dma_wait3A_139 = tpu.memref_slice %arg3[%add3A_130] : memref<640000xi32, #tpu.memory_space<hbm>> -> memref<128xi32, #tpu.memory_space<hbm>>
          tpu.wait_dma2 semaphore(%arg18 : memref<!tpu.dma_semaphore, #tpu.memory_space<semaphore_mem>>) src(%dma_wait3A_139 : memref<128xi32, #tpu.memory_space<hbm>>) dst(%dma_wait3A_138 : memref<128xi32, #tpu.memory_space<vmem>>)
          %dma_start3A_140 = arith.constant 0 : i32
          %dma_start3A_141 = arith.constant 0 : i32
          %dma_start3A_142 = tpu.memref_slice %arg2[%dma_start3A_140, %dma_start3A_141] : memref<10000x128xf32, #tpu.memory_space<hbm>> -> memref<10000x128xf32, #tpu.memory_space<hbm>>
          tpu.enqueue_indirect_dma source(%dma_start3A_142 : memref<10000x128xf32, #tpu.memory_space<hbm>>) target(%arg13 : memref<128x128xf32, #tpu.memory_space<vmem>>) offsets(%arg5 : memref<128xi32, #tpu.memory_space<vmem>>) semaphore(%arg16 : memref<!tpu.dma_semaphore, #tpu.memory_space<semaphore_mem>>)
        } else {
        }
        %run_scoped3A = arith.constant 0 : i32
        "tpu.region"() ({
          %run_scoped3A_122 = tpu.sem_alloc : memref<!tpu.dma_semaphore, #tpu.memory_space<semaphore_mem>>
          %dma_start3A_123 = arith.constant 0 : i32
          %dma_start3A_124 = tpu.memref_slice %arg12[%run_scoped3A, %dma_start3A_123] : memref<1x128xi32, #tpu.memory_space<vmem>> -> memref<1x128xi32, #tpu.memory_space<vmem>>
          %dma_start3A_125 = tpu.memref_squeeze %dma_start3A_124 : memref<1x128xi32, #tpu.memory_space<vmem>> -> memref<128xi32, #tpu.memory_space<vmem>>
          %dma_start3A_126 = arith.constant 0 : i32
          %dma_start3A_127 = arith.constant 0 : i32
          %dma_start3A_128 = tpu.memref_slice %arg15[%dma_start3A_126, %dma_start3A_127] : memref<10000x128xf32, #tpu.memory_space<vmem_shared>> -> memref<10000x128xf32, #tpu.memory_space<vmem_shared>>
          tpu.enqueue_indirect_dma source(%arg14 : memref<128x128xf32, #tpu.memory_space<vmem>>) target(%dma_start3A_128 : memref<10000x128xf32, #tpu.memory_space<vmem_shared>>) offsets(%dma_start3A_125 : memref<128xi32, #tpu.memory_space<vmem>>) semaphore(%run_scoped3A_122 : memref<!tpu.dma_semaphore, #tpu.memory_space<semaphore_mem>>) {add = true}
          %dma_wait3A_129 = arith.constant 0 : i32
          %dma_wait3A_130 = tpu.memref_slice %arg12[%run_scoped3A, %dma_wait3A_129] : memref<1x128xi32, #tpu.memory_space<vmem>> -> memref<1x128xi32, #tpu.memory_space<vmem>>
          %dma_wait3A_131 = tpu.memref_squeeze %dma_wait3A_130 : memref<1x128xi32, #tpu.memory_space<vmem>> -> memref<128xi32, #tpu.memory_space<vmem>>
          %dma_wait3A_132 = arith.constant 0 : i32
          %dma_wait3A_133 = arith.constant 0 : i32
          %dma_wait3A_134 = tpu.memref_slice %arg15[%dma_wait3A_132, %dma_wait3A_133] : memref<10000x128xf32, #tpu.memory_space<vmem_shared>> -> memref<10000x128xf32, #tpu.memory_space<vmem_shared>>
          tpu.wait_indirect_dma semaphore(%run_scoped3A_122 : memref<!tpu.dma_semaphore, #tpu.memory_space<semaphore_mem>>) src(%arg14 : memref<128x128xf32, #tpu.memory_space<vmem>>) dst(%dma_wait3A_134 : memref<10000x128xf32, #tpu.memory_space<vmem_shared>>)
          tpu.yield
        }) : () -> ()
      } else {
      }
    }
    %scan3A_67 = arith.constant 20 : i32
    %barrier3A_68 = arith.constant 0 : index
    tpu.barrier barrier_id(%barrier3A_68)
    "tpu.region"() ({
      %run_scoped3A = tpu.sem_alloc : memref<!tpu.dma_semaphore, #tpu.memory_space<semaphore_mem>>
      %dma_start3A_74 = arith.constant 0 : i32
      %dma_start3A_75 = tpu.memref_slice %arg4[%arg0, %mul3A_2, %dma_start3A_74] : memref<2x10000x128xf32, #tpu.memory_space<hbm>> -> memref<1x624x128xf32, #tpu.memory_space<hbm>>
      %dma_start3A_76 = tpu.memref_squeeze %dma_start3A_75 : memref<1x624x128xf32, #tpu.memory_space<hbm>> -> memref<624x128xf32, #tpu.memory_space<hbm>>
      %dma_start3A_77 = arith.constant 0 : i32
      %dma_start3A_78 = tpu.memref_slice %arg15[%mul3A_2, %dma_start3A_77] : memref<10000x128xf32, #tpu.memory_space<vmem_shared>> -> memref<624x128xf32, #tpu.memory_space<vmem_shared>>
      tpu.enqueue_dma source(%dma_start3A_78 : memref<624x128xf32, #tpu.memory_space<vmem_shared>>) target(%dma_start3A_76 : memref<624x128xf32, #tpu.memory_space<hbm>>) target_semaphore(%run_scoped3A : memref<!tpu.dma_semaphore, #tpu.memory_space<semaphore_mem>>)
      %dma_wait3A_79 = arith.constant 0 : i32
      %dma_wait3A_80 = tpu.memref_slice %arg4[%arg0, %mul3A_2, %dma_wait3A_79] : memref<2x10000x128xf32, #tpu.memory_space<hbm>> -> memref<1x624x128xf32, #tpu.memory_space<hbm>>
      %dma_wait3A_81 = tpu.memref_squeeze %dma_wait3A_80 : memref<1x624x128xf32, #tpu.memory_space<hbm>> -> memref<624x128xf32, #tpu.memory_space<hbm>>
      %dma_wait3A_82 = arith.constant 0 : i32
      %dma_wait3A_83 = tpu.memref_slice %arg15[%mul3A_2, %dma_wait3A_82] : memref<10000x128xf32, #tpu.memory_space<vmem_shared>> -> memref<624x128xf32, #tpu.memory_space<vmem_shared>>
      tpu.wait_dma2 semaphore(%run_scoped3A : memref<!tpu.dma_semaphore, #tpu.memory_space<semaphore_mem>>) src(%dma_wait3A_83 : memref<624x128xf32, #tpu.memory_space<vmem_shared>>) dst(%dma_wait3A_81 : memref<624x128xf32, #tpu.memory_space<hbm>>)
      tpu.yield
    }) : () -> ()
    %eq3A_69 = arith.constant 0 : i32
    %eq3A_70 = arith.cmpi eq, %arg1, %eq3A_69 : i32
    %convert_element_type3A_71 = arith.extui %eq3A_70 : i1 to i32
    %cond3A_72 = arith.constant 0 : i32
    %cond3A_73 = arith.cmpi ne, %convert_element_type3A_71, %cond3A_72 : i32
    scf.if %cond3A_73 {
      "tpu.region"() ({
        %run_scoped3A = tpu.sem_alloc : memref<!tpu.dma_semaphore, #tpu.memory_space<semaphore_mem>>
        %dma_start3A_74 = arith.constant 9984 : i32
        %dma_start3A_75 = arith.constant 0 : i32
        %dma_start3A_76 = tpu.memref_slice %arg4[%arg0, %dma_start3A_74, %dma_start3A_75] : memref<2x10000x128xf32, #tpu.memory_space<hbm>> -> memref<1x16x128xf32, #tpu.memory_space<hbm>>
        %dma_start3A_77 = tpu.memref_squeeze %dma_start3A_76 : memref<1x16x128xf32, #tpu.memory_space<hbm>> -> memref<16x128xf32, #tpu.memory_space<hbm>>
        %dma_start3A_78 = arith.constant 9984 : i32
        %dma_start3A_79 = arith.constant 0 : i32
        %dma_start3A_80 = tpu.memref_slice %arg15[%dma_start3A_78, %dma_start3A_79] : memref<10000x128xf32, #tpu.memory_space<vmem_shared>> -> memref<16x128xf32, #tpu.memory_space<vmem_shared>>
        tpu.enqueue_dma source(%dma_start3A_80 : memref<16x128xf32, #tpu.memory_space<vmem_shared>>) target(%dma_start3A_77 : memref<16x128xf32, #tpu.memory_space<hbm>>) target_semaphore(%run_scoped3A : memref<!tpu.dma_semaphore, #tpu.memory_space<semaphore_mem>>)
        %dma_wait3A_81 = arith.constant 9984 : i32
        %dma_wait3A_82 = arith.constant 0 : i32
        %dma_wait3A_83 = tpu.memref_slice %arg4[%arg0, %dma_wait3A_81, %dma_wait3A_82] : memref<2x10000x128xf32, #tpu.memory_space<hbm>> -> memref<1x16x128xf32, #tpu.memory_space<hbm>>
        %dma_wait3A_84 = tpu.memref_squeeze %dma_wait3A_83 : memref<1x16x128xf32, #tpu.memory_space<hbm>> -> memref<16x128xf32, #tpu.memory_space<hbm>>
        %dma_wait3A_85 = arith.constant 9984 : i32
        %dma_wait3A_86 = arith.constant 0 : i32
        %dma_wait3A_87 = tpu.memref_slice %arg15[%dma_wait3A_85, %dma_wait3A_86] : memref<10000x128xf32, #tpu.memory_space<vmem_shared>> -> memref<16x128xf32, #tpu.memory_space<vmem_shared>>
        tpu.wait_dma2 semaphore(%run_scoped3A : memref<!tpu.dma_semaphore, #tpu.memory_space<semaphore_mem>>) src(%dma_wait3A_87 : memref<16x128xf32, #tpu.memory_space<vmem_shared>>) dst(%dma_wait3A_84 : memref<16x128xf32, #tpu.memory_space<hbm>>)
        tpu.yield
      }) : () -> ()
    } else {
    }
    return
  }
}

module attributes {stable_mosaic.version = 14 : i64} {
  func.func @_mlp_body(%arg0: i32, %arg1: memref<1x1xf32, #tpu.memory_space<vmem>>, %arg2: memref<2000x128xf32, #tpu.memory_space<vmem>>, %arg3: memref<2x2000x128xf32, #tpu.memory_space<vmem>>, %arg4: memref<128x128xf32, #tpu.memory_space<vmem>>, %arg5: memref<1x128xf32, #tpu.memory_space<vmem>>, %arg6: memref<128x128xf32, #tpu.memory_space<vmem>>, %arg7: memref<1x128xf32, #tpu.memory_space<vmem>>, %arg8: memref<2000x128xf32, #tpu.memory_space<vmem>>) attributes {dimension_semantics = [#tpu.dimension_semantics<arbitrary>], iteration_bounds = array<i64: 5>, scalar_prefetch = 0 : i64, scratch_operands = 0 : i64, tpu.core_type = #tpu.core_type<tc>, window_params = [{pipeline_mode = #tpu.pipeline_mode<synchronous>, transform_indices = @transform_0, window_bounds = array<i64: 1, 1>}, {transform_indices = @transform_1, window_bounds = array<i64: 2000, 128>}, {transform_indices = @transform_2, window_bounds = array<i64: 2, 2000, 128>}, {pipeline_mode = #tpu.pipeline_mode<synchronous>, transform_indices = @transform_3, window_bounds = array<i64: 128, 128>}, {pipeline_mode = #tpu.pipeline_mode<synchronous>, transform_indices = @transform_4, window_bounds = array<i64: 1, 128>}, {pipeline_mode = #tpu.pipeline_mode<synchronous>, transform_indices = @transform_5, window_bounds = array<i64: 128, 128>}, {pipeline_mode = #tpu.pipeline_mode<synchronous>, transform_indices = @transform_6, window_bounds = array<i64: 1, 128>}, {transform_indices = @transform_7, window_bounds = array<i64: 2000, 128>}]} {
    %get3A = arith.constant 0 : index
    %get3A_0 = arith.constant 0 : index
    %get3A_1 = arith.constant 0 : index
    %get3A_2 = vector.load %arg3[%get3A, %get3A_0, %get3A_1] : memref<2x2000x128xf32, #tpu.memory_space<vmem>>, vector<1x2000x128xf32>
    %get3A_3 = vector.shape_cast %get3A_2 : vector<1x2000x128xf32> to vector<2000x128xf32>
    %get3A_4 = arith.constant 1 : index
    %get3A_5 = arith.constant 0 : index
    %get3A_6 = arith.constant 0 : index
    %get3A_7 = vector.load %arg3[%get3A_4, %get3A_5, %get3A_6] : memref<2x2000x128xf32, #tpu.memory_space<vmem>>, vector<1x2000x128xf32>
    %get3A_8 = vector.shape_cast %get3A_7 : vector<1x2000x128xf32> to vector<2000x128xf32>
    %add3A = arith.addf %get3A_3, %get3A_8 : vector<2000x128xf32>
    %get3A_9 = arith.constant 0 : index
    %get3A_10 = arith.constant 0 : index
    %get3A_11 = vector.load %arg1[%get3A_9, %get3A_10] : memref<1x1xf32, #tpu.memory_space<vmem>>, vector<1x1xf32>
    %add3A_12 = arith.constant 1.000000e+00 : f32
    %add3A_13 = vector.broadcast %add3A_12 : f32 to vector<1x1xf32>
    %add3A_14 = arith.addf %add3A_13, %get3A_11 : vector<1x1xf32>
    %get3A_15 = arith.constant 0 : index
    %get3A_16 = arith.constant 0 : index
    %get3A_17 = vector.load %arg2[%get3A_15, %get3A_16] : memref<2000x128xf32, #tpu.memory_space<vmem>>, vector<2000x128xf32>
    %mul3A = vector.broadcast %add3A_14 : vector<1x1xf32> to vector<2000x128xf32>
    %mul3A_18 = arith.mulf %mul3A, %get3A_17 : vector<2000x128xf32>
    %add3A_19 = arith.addf %mul3A_18, %add3A : vector<2000x128xf32>
    %get3A_20 = arith.constant 0 : index
    %get3A_21 = arith.constant 0 : index
    %get3A_22 = vector.load %arg4[%get3A_20, %get3A_21] : memref<128x128xf32, #tpu.memory_space<vmem>>, vector<128x128xf32>
    %dot_general3A = arith.constant dense<0.000000e+00> : vector<2000x128xf32>
    %dot_general3A_23 = tpu.matmul %add3A_19, %get3A_22, %dot_general3A {dimension_numbers = #tpu.dot_dimension_numbers<[1], [0], [0], [1], [0, 0, 1, 1], [], []>, transpose_lhs_hint = false} : vector<2000x128xf32>, vector<128x128xf32>, vector<2000x128xf32> -> vector<2000x128xf32>
    %get3A_24 = arith.constant 0 : index
    %get3A_25 = arith.constant 0 : index
    %get3A_26 = vector.load %arg5[%get3A_24, %get3A_25] : memref<1x128xf32, #tpu.memory_space<vmem>>, vector<1x128xf32>
    %add3A_27 = vector.broadcast %get3A_26 : vector<1x128xf32> to vector<2000x128xf32>
    %add3A_28 = arith.addf %dot_general3A_23, %add3A_27 : vector<2000x128xf32>
    %max3A = arith.constant 0.000000e+00 : f32
    %max3A_29 = vector.broadcast %max3A : f32 to vector<2000x128xf32>
    %max3A_30 = arith.maximumf %add3A_28, %max3A_29 : vector<2000x128xf32>
    %get3A_31 = arith.constant 0 : index
    %get3A_32 = arith.constant 0 : index
    %get3A_33 = vector.load %arg6[%get3A_31, %get3A_32] : memref<128x128xf32, #tpu.memory_space<vmem>>, vector<128x128xf32>
    %dot_general3A_34 = arith.constant dense<0.000000e+00> : vector<2000x128xf32>
    %dot_general3A_35 = tpu.matmul %max3A_30, %get3A_33, %dot_general3A_34 {dimension_numbers = #tpu.dot_dimension_numbers<[1], [0], [0], [1], [0, 0, 1, 1], [], []>, transpose_lhs_hint = false} : vector<2000x128xf32>, vector<128x128xf32>, vector<2000x128xf32> -> vector<2000x128xf32>
    %get3A_36 = arith.constant 0 : index
    %get3A_37 = arith.constant 0 : index
    %get3A_38 = vector.load %arg7[%get3A_36, %get3A_37] : memref<1x128xf32, #tpu.memory_space<vmem>>, vector<1x128xf32>
    %add3A_39 = vector.broadcast %get3A_38 : vector<1x128xf32> to vector<2000x128xf32>
    %add3A_40 = arith.addf %dot_general3A_35, %add3A_39 : vector<2000x128xf32>
    %swap3A = arith.constant 0 : index
    %swap3A_41 = arith.constant 0 : index
    %swap3A_42 = vector.load %arg8[%swap3A, %swap3A_41] : memref<2000x128xf32, #tpu.memory_space<vmem>>, vector<2000x128xf32>
    tpu.vector_store %arg8[%swap3A, %swap3A_41], %add3A_40 {strides = array<i32>} : memref<2000x128xf32, #tpu.memory_space<vmem>>, vector<2000x128xf32>,
    return
  }
  func.func @transform_0(%arg0: i32) -> (i32, i32) {
    %c0_i32 = arith.constant 0 : i32
    %c0_i32_0 = arith.constant 0 : i32
    %c0_i32_1 = arith.constant 0 : i32
    return %c0_i32, %c0_i32_0 : i32, i32
  }
  func.func @transform_1(%arg0: i32) -> (i32, i32) {
    %c0_i32 = arith.constant 0 : i32
    %c0_i32_0 = arith.constant 0 : i32
    return %arg0, %c0_i32 : i32, i32
  }
  func.func @transform_2(%arg0: i32) -> (i32, i32, i32) {
    %c0_i32 = arith.constant 0 : i32
    %c0_i32_0 = arith.constant 0 : i32
    %c0_i32_1 = arith.constant 0 : i32
    return %c0_i32, %arg0, %c0_i32_0 : i32, i32, i32
  }
  func.func @transform_3(%arg0: i32) -> (i32, i32) {
    %c0_i32 = arith.constant 0 : i32
    %c0_i32_0 = arith.constant 0 : i32
    %c0_i32_1 = arith.constant 0 : i32
    return %c0_i32, %c0_i32_0 : i32, i32
  }
  func.func @transform_4(%arg0: i32) -> (i32, i32) {
    %c0_i32 = arith.constant 0 : i32
    %c0_i32_0 = arith.constant 0 : i32
    %c0_i32_1 = arith.constant 0 : i32
    return %c0_i32, %c0_i32_0 : i32, i32
  }
  func.func @transform_5(%arg0: i32) -> (i32, i32) {
    %c0_i32 = arith.constant 0 : i32
    %c0_i32_0 = arith.constant 0 : i32
    %c0_i32_1 = arith.constant 0 : i32
    return %c0_i32, %c0_i32_0 : i32, i32
  }
  func.func @transform_6(%arg0: i32) -> (i32, i32) {
    %c0_i32 = arith.constant 0 : i32
    %c0_i32_0 = arith.constant 0 : i32
    %c0_i32_1 = arith.constant 0 : i32
    return %c0_i32, %c0_i32_0 : i32, i32
  }
  func.func @transform_7(%arg0: i32) -> (i32, i32) {
    %c0_i32 = arith.constant 0 : i32
    %c0_i32_0 = arith.constant 0 : i32
    return %arg0, %c0_i32 : i32, i32
  }
}

</mosaic_0001>

<sc_bundles>
// kernel: kernel.4.cloned.1.call-start
scs
__scs_entry_jumppad:
0x0: {  	(pc) =	sbr.rel $0x88, $3  }
0x1: {  	(tag) =	ssettag $0x0;
	lr =	simm.s32 $0x1  }
0x2: {  	[smem:$0x3F9A] =	sst lr;
	_ =	strace $0xD0000000  }
0x3: {  	_ = 	snop  }
0x4: {  	_ = 	snop  }
0x5: {  	_ = 	snop  }
0x6: {  	_ = 	snop  }
0x7: {  	_ = 	snop  }
__scs_overlays_trampoline_lowered:
0x8: {  	[smem:$0x3FA9] =	sst s0  }
0x9: {  	[smem:$0x3FAA] =	sst s1  }
0xa: {  	[smem:$0x3FAB] =	sst s2  }
0xb: {  	[smem:$0x3FAC] =	sst s3  }
0xc: {  	[smem:$0x3FAD] =	sst s4  }
0xd: {  	[smem:$0x3FAE] =	sst s5  }
0xe: {  	[smem:$0x3FAF] =	sst s6  }
0xf: {  	[smem:$0x3FB0] =	sst s7  }
0x10: {  	[smem:$0x3FB1] =	sst s8  }
0x11: {  	[smem:$0x3FB2] =	sst s9;
	s0 =	simm.s32 @!p0 $0x0  }
0x12: {  	s1 =	sld [smem:$0x3F98];
	s0 =	simm.s32 @p0 $0x1  }
0x13: {  	[smem:$0x3FB3] =	sst s0;
	s0 =	simm.s32 @!p1 $0x0  }
0x14: {  	s2 =	sld [smem:$0x3F97];
	s0 =	simm.s32 @p1 $0x1  }
0x15: {  	[smem:$0x3FB4] =	sst s0;
	s0 =	simm.s32 @!p2 $0x0  }
0x16: {  	s3 =	sld [smem:$0x3FDB];
	s0 =	simm.s32 @p2 $0x1  }
0x17: {  	s4 =	simm.s32 $0x1BF5;
	[smem:$0x3FB6] =	sst s0  }
0x18: {  	s0 =	sld [smem:$0x3F99];
	_ =	swait.ge [sflag:s4], $0x0  }
0x19: {  	s7 =	sld [smem:$0x3F9A]  }
0x1a: {  	s8 =	sadd.s32 $0xFFFFE003, lr  }
0x1b: {  	s9 =	sadd.s32 $0xFFFFFEF7, lr;
	s5 =	simm.s32 $0xFFFFFFFF;
	p2 =	slt.u32 s8, $0xFFFFF086  }
0x1c: {  	p1 =	slt.u32 s9, $0xF7A;
	s5 =	simm.s32 @!p2 $0x0  }
0x1d: {  	s5 =	simm.s32 @p1 $0x1;
	p0 =	seq.s32 s7, s2  }
0x1e: {  	s7 =	smul.u32 @!p0 $0xF7A, s2;
	p2 =	seq.s32 @!p0 s5, $0x0  }
0x1f: {  	s9 =	smul.u32 $0xF7A, s1;
	s8 =	simm.s32 @!p0 $0x1BF5;
	p2 =	por !p2, p0  }
0x20: {  	[sflag:s8] =	ssyncset.s32 @!p0 $0xFFFFF086;
	s6 =	sadd.s32 @!p0 s3, s7;
	s7 =	simm.s32 @!p0 $0x108  }
0x21: {  	s3 =	sadd.s32 s3, s9;
	s6 =	sadd.s32 @!p0 $0x88, s6;
	s7 =	simm.s32 @p2 $0x1082  }
0x22: {  	[simem:s7], [sflag:s8] =	dma.local @!p0 [hbm:s6], $0xF7A  }
0x23: {  	s9 =	sor.u32 $0xD0000000, s2;
	s6 =	simm.s32 $0x108;
	_ =	swait.ge @!p0 [sflag:s8], $0x0  }
0x24: {  	s3 =	sadd.s32 $0x88, s3;
	s6 =	simm.s32 @!p1 $0x1082;
	[sflag:s4] =	ssyncset.s32 $0xFFFFF086  }
0x25: {  	[simem:s6], [sflag:s4] =	dma.local [hbm:s3], $0xF7A  }
0x26: {  	[smem:$0x3F9A] =	sst s1;
	(tag) =	ssettag s2;
	_ =	strace s9  }
0x27: {  	s1 =	sld [smem:$0x3FAA]  }
0x28: {  	s2 =	sld [smem:$0x3FAB]  }
0x29: {  	s4 =	sld [smem:$0x3FAD]  }
0x2a: {  	p0 =	seq.s32 s5, $0x0;
	s5 =	sld [smem:$0x3FAE]  }
0x2b: {  	s6 =	sld [smem:$0x3FAF]  }
0x2c: {  	s7 =	sld [smem:$0x3FB0]  }
0x2d: {  	s3 =	simm.s32 $0x108;
	s8 =	sld [smem:$0x3FB1]  }
0x2e: {  	s3 =	simm.s32 @!p0 $0x1082;
	s9 =	sld [smem:$0x3FB2]  }
0x2f: {  	lr =	sadd.s32 s0, s3;
	s0 =	sld [smem:$0x3FA9]  }
0x30: {  	s3 =	sld [smem:$0x3FAC]  }
0x31: {  	[smem:$0x3FB5] =	sst s10  }
0x32: {  	s10 =	sld [smem:$0x3FB3];
	_ =	sdelay $0x3  }
0x33: {  	p0 =	seq.s32 s10, $0x1;
	s10 =	sld [smem:$0x3FB5];
	_ =	sdelay $0x3  }
0x34: {  	[smem:$0x3FB5] =	sst s10  }
0x35: {  	s10 =	sld [smem:$0x3FB4];
	_ =	sdelay $0x3  }
0x36: {  	p1 =	seq.s32 s10, $0x1;
	s10 =	sld [smem:$0x3FB5];
	_ =	sdelay $0x3  }
0x37: {  	[smem:$0x3FB5] =	sst s10  }
0x38: {  	s10 =	sld [smem:$0x3FB6]  }
0x39: {  	_ = 	snop;
	(pc) =	sbr.ind lr, $3  }
0x3a: {  	_ = 	snop  }
0x3b: {  	_ = 	snop  }
0x3c: {  	p2 =	seq.s32 s10, $0x1;
	s10 =	sld [smem:$0x3FB5]  }
0x3d: {  	_ =	shalt  }
0x3e: {  	_ =	shalt  }
0x3f: {  	_ =	shalt  }
0x40: {  	_ =	shalt  }
0x41: {  	_ =	shalt  }
0x42: {  	_ =	shalt  }
0x43: {  	_ =	shalt  }
0x44: {  	_ =	shalt  }
0x45: {  	_ =	shalt  }
0x46: {  	_ =	shalt  }
0x47: {  	_ =	shalt  }
0x48: {  	_ =	shalt  }
0x49: {  	_ =	shalt  }
0x4a: {  	_ =	shalt  }
0x4b: {  	_ =	shalt  }
0x4c: {  	_ =	shalt  }
0x4d: {  	_ =	shalt  }
0x4e: {  	_ =	shalt  }
0x4f: {  	_ =	shalt  }
0x50: {  	_ =	shalt  }
0x51: {  	_ =	shalt  }
0x52: {  	_ =	shalt  }
0x53: {  	_ =	shalt  }
0x54: {  	_ =	shalt  }
0x55: {  	_ =	shalt  }
0x56: {  	_ =	shalt  }
0x57: {  	_ =	shalt  }
0x58: {  	_ =	shalt  }
0x59: {  	_ =	shalt  }
0x5a: {  	_ =	shalt  }
0x5b: {  	_ =	shalt  }
0x5c: {  	_ =	shalt  }
0x5d: {  	_ =	shalt  }
0x5e: {  	_ =	shalt  }
0x5f: {  	_ =	shalt  }
0x60: {  	_ =	shalt  }
0x61: {  	_ =	shalt  }
0x62: {  	_ =	shalt  }
0x63: {  	_ =	shalt  }
0x64: {  	_ =	shalt  }
0x65: {  	_ =	shalt  }
0x66: {  	_ =	shalt  }
0x67: {  	_ =	shalt  }
0x68: {  	_ =	shalt  }
0x69: {  	_ =	shalt  }
0x6a: {  	_ =	shalt  }
0x6b: {  	_ =	shalt  }
0x6c: {  	_ =	shalt  }
0x6d: {  	_ =	shalt  }
0x6e: {  	_ =	shalt  }
0x6f: {  	_ =	shalt  }
0x70: {  	_ =	shalt  }
0x71: {  	_ =	shalt  }
0x72: {  	_ =	shalt  }
0x73: {  	_ =	shalt  }
0x74: {  	_ =	shalt  }
0x75: {  	_ =	shalt  }
0x76: {  	_ =	shalt  }
0x77: {  	_ =	shalt  }
0x78: {  	_ =	shalt  }
0x79: {  	_ =	shalt  }
0x7a: {  	_ =	shalt  }
0x7b: {  	_ =	shalt  }
0x7c: {  	_ =	shalt  }
0x7d: {  	_ =	shalt  }
0x7e: {  	_ =	shalt  }
0x7f: {  	_ =	shalt  }
0x80: {  	_ =	shalt  }
0x81: {  	_ =	shalt  }
0x82: {  	_ =	shalt  }
0x83: {  	_ =	shalt  }
0x84: {  	_ =	shalt  }
0x85: {  	_ =	shalt  }
0x86: {  	_ =	shalt  }
0x87: {  	_ =	shalt  }
.Lfunc_end0:
.L_simem_size_0:
called_computation_lowered:
.L_overlay_start_0:
0x88: {  	s2 =	sld [smem:$0x3FD9]  }
0x89: {  	s3 =	sld [smem:$0x3FFE];
	_ =	sdelay $0x1  }
0x8a: {  	s1 =	srdreg.scid  }
0x8b: {  	s0 =	sand.u32 $0x1, s1  }
0x8c: {  	s17 =	sshll.u32 s0, $0xA;
	s2 =	sadd.s32 s3, s2  }
0x8d: {  	s2 =	sadd.s32 s2, s17  }
0x8e: {  	[smem:$0x3FC1] =	sst s2  }
0x8f: {  	_ = 	snop  }
0x90: {  	s2 =	sld [smem:$0x3FC9]  }
0x91: {  	s18 =	sld [smem:$0x3FD0];
	(tm) =	ssettm $0x1  }
0x92: {  	s4 =	sld [smem:$0x3FFB];
	_ =	sdelay $0x3  }
0x93: {  	_ =	strace s4  }
0x94: {  	s4 =	sld [smem:$0x3FFC];
	_ =	sdelay $0x3  }
0x95: {  	_ =	strace s4  }
0x96: {  	s4 =	sld [smem:$0x3FFD];
	_ =	sdelay $0x3  }
0x97: {  	_ =	strace s4  }
0x98: {  	_ =	strace $0x8FFFFFFF  }
0x99: {  	s19 =	sld [smem:$0x3FDB];
	_ =	sdelay $0x1  }
0x9a: {  	s5 =	simm.s32 $_scs_section_size  }
0x9b: {  	s6 =	simm.s32 $_size__tile_overlayer_lowered;
	s7 =	simm.s32 $_tile_overlayer_lowered  }
0x9c: {  	s22 =	simm.s32 $0x1BFF;
	s21 =	sshll.u32 s7, $0x1;
	s4 =	sadd.s32 s5, s19  }
0x9d: {  	s8 =	simm.s32 $0x0;
	s20 =	sshll.u32 s6, $0x1;
	s6 =	sadd.s32 s21, s4  }
0x9e: {  	[timem:s8], [sflag:s22] =	dma.local [hbm:s6], s20  }
0x9f: {  	_ =	swait.ge [sflag:s22], s20  }
0xa0: {  	s5 =	ssub.s32 $0x0, s20;
	[sflag:s22] =	ssyncset.done $0x0  }
0xa1: {  	[sflag:s22] =	ssyncadd.s32 s5;
	_ =	sdelay $0x1  }
0xa2: {  	s23 =	simm.s32 $0x1B8B  }
0xa3: {  	_ =	swait.ge [sflag:s23], $0x1  }
0xa4: {  	[sflag:s23] =	ssyncset.done $0x0  }
0xa5: {  	s25 =	simm.s32 $0x1B8E;
	s24 =	sld [smem:$0x3FFE];
	[sflag:s23] =	ssyncadd.s32 $0xFFFFFFFF  }
0xa6: {  	s26 =	simm.s32 $execute0_lowered;
	[smem:$0x3FD2] =	sst s25  }
0xa7: {  	s6 =	sshll.u32 s26, $0x1;
	_ =	strace $0x80000046;
	[dreg:$0x1] =	wrdreg $0xFFFFFFFF  }
0xa8: {  	s28 =	simm.s32 $_size_execute0_lowered;
	s4 =	sadd.s32 s4, s6;
	[dreg:$0x0] =	wrdreg $0x0  }
0xa9: {  	s6 =	sshll.u32 s28, $0x1;
	[dreg:$0x2] =	wrdreg s4  }
0xaa: {  	[dreg:$0x3] =	wrdreg s6  }
0xab: {  	[dreg:$0x4] =	wrdreg $0xC0  }
0xac: {  	_ =	task [dreg:s8], $0x5FFFF  }
0xad: {  	[dreg:$0x1] =	wrdreg $0xFFFFFFFF  }
0xae: {  	[dreg:$0x0] =	wrdreg $0x60  }
0xaf: {  	[dreg:$0x2] =	wrdreg s2  }
0xb0: {  	[dreg:$0x3] =	wrdreg s18  }
0xb1: {  	[dreg:$0x4] =	wrdreg s24  }
0xb2: {  	[dreg:$0x5] =	wrdreg $0x84000  }
0xb3: {  	[dreg:$0x6] =	wrdreg $0x9  }
0xb4: {  	_ =	task.clear_ibuf [dreg:s8], $0x7FFFF;
	_ =	strace $0x90000046  }
0xb5: {  	s29 =	simm.s32 $0x9;
	_ =	strace $0x80000048  }
0xb6: {  	_ =	swait.ge [sflag:s29], $0x1  }
0xb7: {  	[sflag:s29] =	ssyncadd.s32 $0xFFFFFFFF  }
0xb8: {  	_ =	strace $0x90000048  }
0xb9: {  	_ =	sfence  }
0xba: {  	s30 =	sld [smem:$0x0];
	_ =	sdelay $0x2  }
0xbb: {  	s31 =	sshll.u32 s1, $0xD;
	s1 =	sshrl.u32 s1, $0x2  }
0xbc: {  	s3 =	sand.u32 $0x4000, s31;
	s1 =	sadd.s32 s1, s30  }
0xbd: {  	s0 =	sor.u32 s3, s0;
	s1 =	sshll.u32 s1, $0x11  }
0xbe: {  	s0 =	sor.u32 s1, s0  }
0xbf: {  	s0 =	sadd.s32 $0x8F2B, s0  }
0xc0: {  	[sflag:s0] =	ssyncadd.remote.s32 $0x1  }
0xc1: {  	_ =	sfence.sel $0xFFFF  }
0xc2: {  	[dreg:$0x0] =	wrdreg $0xFFFFFFFF;
	(pc) =	sbr.abs _section_cstart, $3  }
0xc3: {  	[dreg:$0x1] =	wrdreg $0xFFFFFFFF  }
0xc4: {  	_ =	task.clear_ibuf [dreg:s8], $0x2FFFF;
	_ =	strace $0x9FFFFFFF  }
0xc5: {  	(tm) =	ssettm $0x7FFFFFFF  }
tec
execute0_lowered:
.L_overlay_start_1:
0x0: {  	(tag) =	ssettag $0x1  }
0x1: {  	s0 =	rddreg [dreg:$0x0]  }
0x2: {  	s1 =	rddreg [dreg:$0x1];
	s2 =	srdreg.scid  }
0x3: {  	s4 =	rddreg [dreg:$0x2];
	s5 =	stileid.u32  }
0x4: {  	s3 =	rddreg [dreg:$0x3];
	s16 =	smul.u32 $0x4E000, s5  }
0x5: {  	s7 =	simm.s32 $0x0;
	s28 =	simm.s32 $0x7;
	s23 =	smul.u32 $0x13800, s5  }
0x6: {  	s29 =	simm.s32 $0x3;
	s30 =	simm.s32 $0x1;
	s24 =	smul.u32 $0x2700, s5  }
0x7: {  	s31 =	simm.s32 $0x4;
	s2 =	sand.u32 $0x1, s2;
	s26 =	smul.u32 $0x4E, s5  }
0x8: {  	[smem:$0x7FF] =	sst s7;
	s6 =	sshll.u32 s2, $0x4;
	s12 =	smul.u32 $0x138800, s2  }
0x9: {  	s4 =	sadd.s32 $0x1600, s4;
	s14 =	smul.u32 $0x4E0, s2;
	s6 =	sor.u32 s5, s6  }
0xa: {  	_ =	strace $0x80000047;
	s8 =	ssub.s32 $0x2, s2;
	s15 =	smul.u32 $0x4E, s6  }
0xb: {  	s9 =	smin.u32 s6, $0x4;
	p0 =	slt.u32 s6, $0x4;
	s6 =	simm.s32 $0x4F  }
0xc: {  	s2 =	smul.u32 $0x27000, s2;
	s10 =	sshrl.u32 s8, $0x1;
	s6 =	simm.s32 @!p0 $0x4E  }
0xd: {  	s8 =	ssub.s32 s8, s10;
	s7 =	sadd.s32 s9, s15;
	s22 =	sadd.s32 $0xFFFFFFFE, s6  }
0xe: {  	s13 =	sadd.s32 $0xFFFFFFFB, s6;
	s7 =	sshll.u32 s7, $0x4;
	[dreg:$0x5] =	wrdreg s22  }
0xf: {  	s10 =	sshrl.u32 s16, $0x2;
	[dreg:$0x6] =	wrdreg s13;
	s7 =	sadd.s32 s1, s7  }
0x10: {  	s2 =	sadd.s32 s24, s2;
	s11 =	sadd.s32 $0x9C40, s7;
	[dreg:$0xd] =	wrdreg s7  }
0x11: {  	p0 =	sne.s32 s5, $0x0;
	s17 =	sadd.s32 $0x10, s7;
	[dreg:$0xe] =	wrdreg s11  }
0x12: {  	s15 =	sadd.s32 $0x138000, s3;
	s7 =	sadd.s32 $0x9C50, s7;
	[dreg:$0xf] =	wrdreg s17  }
0x13: {  	[dreg:$0x10] =	wrdreg s7;
	s11 =	sadd.s32 s10, s3;
	s17 =	sadd.s32 $0xFFFFFFFD, s6  }
0x14: {  	s10 =	sadd.s32 s23, s12;
	s18 =	sadd.s32 $0x4000, s11;
	[dreg:$0x15] =	wrdreg s11  }
0x15: {  	s12 =	sshrl.u32 s12, $0x3;
	s19 =	sadd.s32 $0x8000, s11;
	[dreg:$0x11] =	wrdreg s18  }
0x16: {  	s7 =	sor.u32 s14, s9;
	s20 =	sadd.s32 $0xC000, s11;
	[dreg:$0x12] =	wrdreg s19  }
0x17: {  	s9 =	sshll.u32 s9, $0x7;
	s21 =	sadd.s32 $0x10000, s11;
	[dreg:$0x13] =	wrdreg s20  }
0x18: {  	s10 =	sshrl.u32 s10, $0x3;
	s2 =	sadd.s32 s9, s2;
	[dreg:$0x14] =	wrdreg s21  }
0x19: {  	s25 =	sadd.s32 s4, s10;
	s4 =	sadd.s32 s4, s12;
	s19 =	sadd.s32 $0xFFFFFFFC, s6  }
0x1a: {  	s10 =	sadd.s32 s26, s7;
	s9 =	sadd.s32 $0x4E480, s2;
	s12 =	sadd.s32 $0x280, s2  }
0x1b: {  	s18 =	sadd.s32 $0x4E400, s2;
	s21 =	sadd.s32 $0x4E380, s2;
	s22 =	sadd.s32 $0x180, s2  }
0x1c: {  	s2 =	sadd.s32 $0x200, s2;
	[dreg:$0x16] =	wrdreg s25;
	s4 =	sadd.s32 $0x27000, s4  }
0x1d: {  	s10 =	sshll.u32 s10, $0x4;
	s9 =	sshrl.u32 s9, $0x3;
	s14 =	sshrl.u32 s12, $0x3  }
0x1e: {  	s20 =	sshrl.u32 s18, $0x3;
	s24 =	sshrl.u32 s22, $0x3;
	[dreg:$0x19] =	wrdreg s2  }
0x1f: {  	s25 =	smax.u32 s8, $0x1;
	s2 =	simm.s32 $0x4400;
	[dreg:$0x17] =	wrdreg s4  }
0x20: {  	s8 =	simm.s32 $0x2;
	s4 =	sadd.s32 s10, s1;
	[dreg:$0x18] =	wrdreg s25  }
0x21: {  	s13 =	sadd.s32 s9, s1;
	s16 =	sadd.s32 s14, s1;
	[dreg:$0x7] =	wrdreg s4  }
0x22: {  	s9 =	sshrl.u32 s21, $0x3;
	s26 =	sadd.s32 s24, s1;
	[dreg:$0x8] =	wrdreg s13  }
0x23: {  	s24 =	simm.s32 $0x80;
	s25 =	simm.s32 $0x280;
	[dreg:$0x9] =	wrdreg s16  }
0x24: {  	s4 =	sadd.s32 s20, s1;
	s23 =	sadd.s32 s9, s1;
	[dreg:$0xc] =	wrdreg s26  }
0x25: {  	s26 =	simm.s32 $0x400;
	s9 =	simm.s32 $0x0;
	[dreg:$0xa] =	wrdreg s4  }
0x26: {  	v0 =	vimm.f32 $0.0e+00;
	[dreg:$0xb] =	wrdreg s23;
	s23 =	simm.s32 $0x200;
	s4 =	simm.s32 $0x8  }
.LBB2_1:
0x27: {  	s5 =	simm.s32 $0x0;
	s7 =	rddreg [dreg:$0xd]  }
0x28: {  	[tilespmem:s5], [sflag:$0x3] =	stream.linear.gather [hbm4b:s7+s5], $0x80, $0x38;
	[tilespmem:$0x1BC80] =	vst v63  }
0x29: {  	s20 =	rddreg [dreg:$0xe]  }
0x2a: {  	[tilespmem:s23], [sflag:$0x3] =	stream.linear.gather [hbm4b:s20+s5], $0x80, $0x38;
	[tilespmem:$0x1BC80] =	vst v63  }
0x2b: {  	s21 =	rddreg [dreg:$0xf]  }
0x2c: {  	[tilespmem:s24], [sflag:$0x4] =	stream.linear.gather [hbm4b:s21+s5], $0x80, $0x38;
	[tilespmem:$0x1BC80] =	vst v63  }
0x2d: {  	s22 =	rddreg [dreg:$0x10];
	s10 =	simm.s32 $0x0;
	s12 =	simm.s32 $0x200  }
0x2e: {  	[tilespmem:s25], [sflag:$0x4] =	stream.linear.gather [hbm4b:s22+s5], $0x80, $0x38;
	[tilespmem:$0x1BC80] =	vst v63  }
.LBB2_2:
0x2f: {  	p1 =	sne.s32 s12, $0xFE00;
	[tilespmem:s10+$0x470] =	vst v0  }
0x30: {  	[tilespmem:s10+$0x400] =	vst v0  }
0x31: {  	[tilespmem:s10+$0x410] =	vst v0  }
.Ltmp0:
0x32: {  	[tilespmem:s10+$0x420] =	vst v0;
	(pc) =	sbr.rel @p1 .LBB2_2-.Ltmp0, $4  }
0x33: {  	[tilespmem:s10+$0x430] =	vst v0  }
0x34: {  	[tilespmem:s10+$0x440] =	vst v0  }
0x35: {  	[tilespmem:s10+$0x450] =	vst v0  }
0x36: {  	[tilespmem:s10+$0x460] =	vst v0;
	s10 =	sshra.s32 s12, $0x2;
	s12 =	sadd.s32 $0x200, s12  }
0x37: {  	[tilespmem:s10+$0x470] =	vst v0  }
0x38: {  	[tilespmem:s10+$0x400] =	vst v0  }
0x39: {  	[tilespmem:s10+$0x410] =	vst v0  }
0x3a: {  	[tilespmem:s10+$0x420] =	vst v0  }
0x3b: {  	[tilespmem:s10+$0x430] =	vst v0  }
0x3c: {  	[tilespmem:s10+$0x440] =	vst v0  }
0x3d: {  	[tilespmem:s10+$0x450] =	vst v0  }
0x3e: {  	[tilespmem:s10+$0x460] =	vst v0  }
0x3f: {  	[spmem:s11] =	stream.linear.scatter [tilespmem:s26], [sflag:$0x7], $0x4000, $0x38;
	[tilespmem:$0x1BC80] =	vst v63  }
0x40: {  	_ =	swait.ge [sflag:s28], $0x4000  }
0x41: {  	[sflag:s28] =	ssyncset.done $0x0  }
0x42: {  	s5 =	rddreg [dreg:$0x11];
	[sflag:s28] =	ssyncadd.s32 $0xFFFFC000  }
0x43: {  	[spmem:s5] =	stream.linear.scatter [tilespmem:s26], [sflag:$0x7], $0x4000, $0x38;
	[tilespmem:$0x1BC80] =	vst v63  }
0x44: {  	_ =	swait.ge [sflag:s28], $0x4000  }
0x45: {  	[sflag:s28] =	ssyncset.done $0x0  }
0x46: {  	s20 =	rddreg [dreg:$0x12];
	[sflag:s28] =	ssyncadd.s32 $0xFFFFC000  }
0x47: {  	[spmem:s20] =	stream.linear.scatter [tilespmem:s26], [sflag:$0x7], $0x4000, $0x38;
	[tilespmem:$0x1BC80] =	vst v63  }
0x48: {  	_ =	swait.ge [sflag:s28], $0x4000  }
0x49: {  	[sflag:s28] =	ssyncset.done $0x0  }
0x4a: {  	s21 =	rddreg [dreg:$0x13];
	[sflag:s28] =	ssyncadd.s32 $0xFFFFC000  }
0x4b: {  	[spmem:s21] =	stream.linear.scatter [tilespmem:s26], [sflag:$0x7], $0x4000, $0x38;
	[tilespmem:$0x1BC80] =	vst v63  }
0x4c: {  	_ =	swait.ge [sflag:s28], $0x4000  }
0x4d: {  	[sflag:s28] =	ssyncset.done $0x0  }
0x4e: {  	s22 =	rddreg [dreg:$0x14];
	[sflag:s28] =	ssyncadd.s32 $0xFFFFC000  }
0x4f: {  	[spmem:s22] =	stream.linear.scatter [tilespmem:s26], [sflag:$0x7], $0x3800, $0x38;
	[tilespmem:$0x1BC80] =	vst v63  }
0x50: {  	_ =	swait.ge [sflag:s28], $0x3800  }
0x51: {  	[sflag:s28] =	ssyncset.done $0x0  }
0x52: {  	s10 =	simm.s32 @!p0 $0x400;
	[sflag:s28] =	ssyncadd.s32 $0xFFFFC800  }
0x53: {  	[spmem:s15] =	stream.linear.scatter @!p0 [tilespmem:s10], [sflag:$0x7], $0x800, $0x38;
	[tilespmem:$0x1BC80] =	vst v63  }
0x54: {  	s10 =	simm.s32 @!p0 $0x7  }
0x55: {  	_ =	swait.ge @!p0 [sflag:s10], $0x800  }
0x56: {  	[sflag:s10] =	ssyncset.done @!p0 $0x0  }
0x57: {  	[sflag:s10] =	ssyncadd.s32 @!p0 $0xFFFFF800  }
0x58: {  	_ =	swait.ge [sflag:s29], $0x80  }
0x59: {  	[sflag:s29] =	ssyncset.done $0x0  }
0x5a: {  	[sflag:s29] =	ssyncadd.s32 $0xFFFFFF80  }
0x5b: {  	_ =	swait.ge [sflag:s29], $0x80  }
0x5c: {  	[sflag:s29] =	ssyncset.done $0x0  }
0x5d: {  	s10 =	simm.s32 $0x0;
	[sflag:s29] =	ssyncadd.s32 $0xFFFFFF80  }
0x5e: {  	[tilespmem:s26], [sflag:$0x1] =	stream.indirect.gather [hbm4b:s0+s24], $0x80, s10, s24, $0xb8;
	[tilespmem:$0x1BC80] =	vst v63  }
0x5f: {  	[bflag:$0x0] =	sbarrier.arrive $0xFFFF  }
0x60: {  	_ =	swait.ge [sflag:s30], $0x4000  }
0x61: {  	s12 =	rddreg [dreg:$0x5]  }
0x62: {  	s13 =	rddreg [dreg:$0x7];
	[sflag:s30] =	ssyncset.done $0x0;
	p1 =	sle.u32 s12, $0x0  }
0x63: {  	s22 =	smov.u32 s15;
	[sflag:s30] =	ssyncadd.s32 $0xFFFFC000;
	s12 =	sadd.s32 @!p1 $0x0, s13  }
0x64: {  	s13 =	simm.s32 @!p1 $0x0;
	s14 =	simm.s32 @!p1 $0x100;
	s15 =	sadd.s32 @!p1 $0x20, s12  }
0x65: {  	[tilespmem:s14], [sflag:$0x5] =	stream.linear.gather @!p1 [hbm4b:s15+s13], $0x80, $0x38;
	[tilespmem:$0x1BC80] =	vst v63  }
0x66: {  	s12 =	sadd.s32 @!p1 $0x9C60, s12;
	s15 =	simm.s32 @!p1 $0x300  }
0x67: {  	[tilespmem:s15], [sflag:$0x5] =	stream.linear.gather @!p1 [hbm4b:s12+s13], $0x80, $0x38;
	[tilespmem:$0x1BC80] =	vst v63  }
0x68: {  	_ =	swait.ge [sflag:s31], $0x80  }
0x69: {  	[sflag:s31] =	ssyncset.done $0x0  }
0x6a: {  	[sflag:s31] =	ssyncadd.s32 $0xFFFFFF80  }
0x6b: {  	_ =	swait.ge [sflag:s31], $0x80  }
0x6c: {  	[sflag:s31] =	ssyncset.done $0x0  }
0x6d: {  	[sflag:s31] =	ssyncadd.s32 $0xFFFFFF80  }
0x6e: {  	[tilespmem:s2], [sflag:$0x2] =	stream.indirect.gather [hbm4b:s0+s24], $0x80, s24, s24, $0xb8;
	[tilespmem:$0x1BC80] =	vst v63  }
0x6f: {  	_ = 	snop  }
0x70: {  	[spmem:s3] =	stream.indirect.scatter.add.f32 [tilespmem:s26], [sflag:$0x8], $0x80, s23, s24, $0xb8;
	[tilespmem:$0x1BC80] =	vst v63  }
0x71: {  	_ =	swait.ge [sflag:s4], $0x4000  }
0x72: {  	[sflag:s4] =	ssyncset.done $0x0  }
0x73: {  	p2 =	sle.u32 s17, $0x0;
	[sflag:s4] =	ssyncadd.s32 $0xFFFFC000  }
0x74: {  	s18 =	simm.s32 @!p2 $0x0;
	_ =	swait.ge [sflag:s8], $0x4000  }
0x75: {  	s13 =	simm.s32 @!p2 $0x180;
	s12 =	rddreg [dreg:$0xc];
	[sflag:s8] =	ssyncset.done $0x0  }
0x76: {  	s15 =	rddreg [dreg:$0xb];
	[sflag:s8] =	ssyncadd.s32 $0xFFFFC000;
	s12 =	sadd.s32 @!p2 $0x0, s12  }
0x77: {  	[tilespmem:s13], [sflag:$0x6] =	stream.linear.gather @!p2 [hbm4b:s12+s18], $0x80, $0x38;
	[tilespmem:$0x1BC80] =	vst v63  }
0x78: {  	s12 =	simm.s32 @!p2 $0x380;
	s13 =	sadd.s32 @!p2 $0x0, s15;
	s15 =	simm.s32 @!p1 $0x5  }
0x79: {  	[tilespmem:s12], [sflag:$0x6] =	stream.linear.gather @!p2 [hbm4b:s13+s18], $0x80, $0x38;
	[tilespmem:$0x1BC80] =	vst v63  }
0x7a: {  	_ =	swait.ge @!p1 [sflag:s15], $0x80  }
0x7b: {  	[sflag:s15] =	ssyncset.done @!p1 $0x0  }
0x7c: {  	[sflag:s15] =	ssyncadd.s32 @!p1 $0xFFFFFF80  }
0x7d: {  	_ =	swait.ge @!p1 [sflag:s15], $0x80  }
0x7e: {  	[sflag:s15] =	ssyncset.done @!p1 $0x0  }
0x7f: {  	s12 =	simm.s32 @!p1 $0x80;
	s13 =	simm.s32 @!p1 $0x400;
	[sflag:s15] =	ssyncadd.s32 @!p1 $0xFFFFFF80  }
0x80: {  	[tilespmem:s13], [sflag:$0x1] =	stream.indirect.gather @!p1 [hbm4b:s0+s12], $0x80, s14, s12, $0xb8;
	[tilespmem:$0x1BC80] =	vst v63  }
0x81: {  	p2 =	sle.u32 s6, $0x2  }
0x82: {  	[spmem:s3] =	stream.indirect.scatter.add.f32 [tilespmem:s2], [sflag:$0x8], $0x80, s25, s24, $0xb8;
	[tilespmem:$0x1BC80] =	vst v63  }
0x83: {  	p3 =	sle.u32 @!p2 s17, $0x0;
	_ =	swait.ge [sflag:s4], $0x4000  }
0x84: {  	p3 =	por p3, p2;
	[sflag:s4] =	ssyncset.done $0x0  }
0x85: {  	p1 =	sle.u32 @!p2 s19, $0x0;
	s13 =	simm.s32 @!p2 $0x1;
	[sflag:s4] =	ssyncadd.s32 $0xFFFFC000  }
0x86: {  	p1 =	por p1, p2;
	s5 =	rddreg [dreg:$0x19];
	_ =	swait.ge @!p2 [sflag:s13], $0x4000  }
0x87: {  	s15 =	simm.s32 @!p1 $0x0;
	s12 =	sshrl.u32 @!p1 s5, $0x3;
	[sflag:s13] =	ssyncset.done @!p2 $0x0  }
0x88: {  	s12 =	sadd.s32 @!p1 s1, s12;
	s14 =	rddreg [dreg:$0xa];
	[sflag:s13] =	ssyncadd.s32 @!p2 $0xFFFFC000  }
0x89: {  	[tilespmem:s15], [sflag:$0x3] =	stream.linear.gather @!p1 [hbm4b:s12+s15], $0x80, $0x38;
	[tilespmem:$0x1BC80] =	vst v63  }
0x8a: {  	s13 =	simm.s32 @!p3 $0x6;
	s14 =	sadd.s32 @!p1 $0x0, s14;
	s12 =	simm.s32 @!p1 $0x200  }
0x8b: {  	[tilespmem:s12], [sflag:$0x3] =	stream.linear.gather @!p1 [hbm4b:s14+s15], $0x80, $0x38;
	[tilespmem:$0x1BC80] =	vst v63  }
0x8c: {  	_ =	swait.ge @!p3 [sflag:s13], $0x80  }
0x8d: {  	[sflag:s13] =	ssyncset.done @!p3 $0x0  }
0x8e: {  	[sflag:s13] =	ssyncadd.s32 @!p3 $0xFFFFFF80  }
0x8f: {  	_ =	swait.ge @!p3 [sflag:s13], $0x80  }
0x90: {  	s20 =	simm.s32 $0x3;
	s18 =	simm.s32 @!p3 $0x4400;
	[sflag:s13] =	ssyncset.done @!p3 $0x0  }
0x91: {  	s12 =	simm.s32 @!p3 $0x80;
	s14 =	simm.s32 @!p3 $0x180;
	[sflag:s13] =	ssyncadd.s32 @!p3 $0xFFFFFF80  }
0x92: {  	[tilespmem:s18], [sflag:$0x2] =	stream.indirect.gather @!p3 [hbm4b:s0+s12], $0x80, s14, s12, $0xb8;
	[tilespmem:$0x1BC80] =	vst v63  }
0x93: {  	s15 =	simm.s32 @!p2 $0x80;
	s13 =	simm.s32 @!p2 $0x400;
	s12 =	simm.s32 @!p2 $0x300  }
0x94: {  	[spmem:s3] =	stream.indirect.scatter.add.f32 @!p2 [tilespmem:s13], [sflag:$0x8], $0x80, s12, s15, $0xb8;
	[tilespmem:$0x1BC80] =	vst v63  }
0x95: {  	s18 =	simm.s32 @!p2 $0x8;
	s14 =	sadd.s32 $0x200, s5;
	s13 =	simm.s32 $0x40  }
0x96: {  	s15 =	simm.s32 $0x4;
	s12 =	simm.s32 $0x0;
	_ =	swait.ge @!p2 [sflag:s18], $0x4000  }
.LBB2_4:
0x97: {  	[sflag:s18] =	ssyncset.done @!p2 $0x0;
	p3 =	sge.u32 s20, s6  }
0x98: {  	[sflag:s18] =	ssyncadd.s32 @!p2 $0xFFFFC000;
	s18 =	simm.s32 @!p3 $0x2  }
0x99: {  	p2 =	sge.u32 @!p3 s10, s19;
	_ =	swait.ge @!p3 [sflag:s18], $0x4000  }
0x9a: {  	p2 =	por p2, p3;
	s7 =	rddreg [dreg:$0x6]  }
0x9b: {  	s21 =	rddreg [dreg:$0x9];
	[sflag:s18] =	ssyncset.done @!p3 $0x0;
	p4 =	sge.u32 @!p3 s10, s7  }
0x9c: {  	s5 =	rddreg [dreg:$0x8];
	[sflag:s18] =	ssyncadd.s32 @!p3 $0xFFFFC000;
	p4 =	por p4, p3  }
0x9d: {  	s7 =	sadd.s32 @!p4 s12, s21;
	s18 =	simm.s32 @!p4 $0x0;
	s21 =	simm.s32 @!p4 $0x80  }
0x9e: {  	[tilespmem:s21], [sflag:$0x4] =	stream.linear.gather @!p4 [hbm4b:s7+s18], $0x80, $0x38;
	[tilespmem:$0x1BC80] =	vst v63  }
0x9f: {  	s16 =	simm.s32 @!p2 $0x3;
	s5 =	sadd.s32 @!p4 s12, s5;
	s11 =	simm.s32 @!p4 $0x280  }
0xa0: {  	[tilespmem:s11], [sflag:$0x4] =	stream.linear.gather @!p4 [hbm4b:s5+s18], $0x80, $0x38;
	[tilespmem:$0x1BC80] =	vst v63  }
0xa1: {  	_ =	swait.ge @!p2 [sflag:s16], $0x80  }
0xa2: {  	[sflag:s16] =	ssyncset.done @!p2 $0x0  }
0xa3: {  	s20 =	smov.u32 s13;
	[sflag:s16] =	ssyncadd.s32 @!p2 $0xFFFFFF80  }
0xa4: {  	s12 =	smov.u32 s20;
	_ =	swait.ge @!p2 [sflag:s16], $0x80  }
0xa5: {  	s20 =	simm.s32 @!p3 $0x380;
	s11 =	simm.s32 @!p2 $0x80;
	[sflag:s16] =	ssyncset.done @!p2 $0x0  }
0xa6: {  	s18 =	simm.s32 @!p2 $0x0;
	[sflag:s16] =	ssyncadd.s32 @!p2 $0xFFFFFF80;
	s16 =	simm.s32 @!p2 $0x400  }
0xa7: {  	[tilespmem:s16], [sflag:$0x1] =	stream.indirect.gather @!p2 [hbm4b:s0+s11], $0x80, s18, s11, $0xb8;
	[tilespmem:$0x1BC80] =	vst v63  }
0xa8: {  	s7 =	simm.s32 @!p3 $0x4400;
	s5 =	simm.s32 @!p3 $0x80;
	s11 =	simm.s32 @!p3 $0x7  }
0xa9: {  	[spmem:s3] =	stream.indirect.scatter.add.f32 @!p3 [tilespmem:s7], [sflag:$0x7], $0x80, s20, s5, $0xb8;
	[tilespmem:$0x1BC80] =	vst v63  }
0xaa: {  	_ =	swait.ge @!p3 [sflag:s11], $0x4000  }
0xab: {  	[sflag:s11] =	ssyncset.done @!p3 $0x0  }
0xac: {  	[sflag:s11] =	ssyncadd.s32 @!p3 $0xFFFFC000  }
0xad: {  	_ =	swait.ge [sflag:s30], $0x4000  }
0xae: {  	s20 =	rddreg [dreg:$0x5]  }
0xaf: {  	s7 =	rddreg [dreg:$0x7];
	[sflag:s30] =	ssyncset.done $0x0;
	p3 =	sge.u32 s15, s20  }
0xb0: {  	[sflag:s30] =	ssyncadd.s32 $0xFFFFC000;
	s5 =	sadd.s32 @!p3 s12, s7  }
0xb1: {  	s7 =	simm.s32 @!p3 $0x0;
	s18 =	simm.s32 @!p3 $0x100;
	s11 =	sadd.s32 @!p3 $0x20, s5  }
0xb2: {  	[tilespmem:s18], [sflag:$0x5] =	stream.linear.gather @!p3 [hbm4b:s11+s7], $0x80, $0x38;
	[tilespmem:$0x1BC80] =	vst v63  }
0xb3: {  	s5 =	sadd.s32 @!p3 $0x9C60, s5;
	s11 =	simm.s32 @!p3 $0x300  }
0xb4: {  	[tilespmem:s11], [sflag:$0x5] =	stream.linear.gather @!p3 [hbm4b:s5+s7], $0x80, $0x38;
	[tilespmem:$0x1BC80] =	vst v63  }
0xb5: {  	_ =	swait.ge [sflag:s31], $0x80  }
0xb6: {  	[sflag:s31] =	ssyncset.done $0x0  }
0xb7: {  	[sflag:s31] =	ssyncadd.s32 $0xFFFFFF80  }
0xb8: {  	_ =	swait.ge [sflag:s31], $0x80  }
0xb9: {  	[sflag:s31] =	ssyncset.done $0x0  }
0xba: {  	[sflag:s31] =	ssyncadd.s32 $0xFFFFFF80  }
0xbb: {  	[tilespmem:s2], [sflag:$0x2] =	stream.indirect.gather [hbm4b:s0+s24], $0x80, s24, s24, $0xb8;
	[tilespmem:$0x1BC80] =	vst v63  }
0xbc: {  	_ = 	snop  }
0xbd: {  	[spmem:s3] =	stream.indirect.scatter.add.f32 [tilespmem:s26], [sflag:$0x8], $0x80, s23, s24, $0xb8;
	[tilespmem:$0x1BC80] =	vst v63  }
0xbe: {  	_ =	swait.ge [sflag:s4], $0x4000  }
0xbf: {  	[sflag:s4] =	ssyncset.done $0x0  }
0xc0: {  	p5 =	sge.u32 s15, s17;
	[sflag:s4] =	ssyncadd.s32 $0xFFFFC000  }
0xc1: {  	s20 =	simm.s32 @!p5 $0x0;
	_ =	swait.ge [sflag:s8], $0x4000  }
0xc2: {  	s11 =	simm.s32 @!p5 $0x180;
	s5 =	rddreg [dreg:$0xc];
	[sflag:s8] =	ssyncset.done $0x0  }
0xc3: {  	s16 =	rddreg [dreg:$0xb];
	[sflag:s8] =	ssyncadd.s32 $0xFFFFC000;
	s5 =	sadd.s32 @!p5 s12, s5  }
0xc4: {  	[tilespmem:s11], [sflag:$0x6] =	stream.linear.gather @!p5 [hbm4b:s5+s20], $0x80, $0x38;
	[tilespmem:$0x1BC80] =	vst v63  }
0xc5: {  	s7 =	simm.s32 @!p5 $0x380;
	s5 =	sadd.s32 @!p5 s12, s16;
	s11 =	simm.s32 @!p3 $0x5  }
0xc6: {  	[tilespmem:s7], [sflag:$0x6] =	stream.linear.gather @!p5 [hbm4b:s5+s20], $0x80, $0x38;
	[tilespmem:$0x1BC80] =	vst v63  }
0xc7: {  	_ =	swait.ge @!p3 [sflag:s11], $0x80  }
0xc8: {  	[sflag:s11] =	ssyncset.done @!p3 $0x0  }
0xc9: {  	[sflag:s11] =	ssyncadd.s32 @!p3 $0xFFFFFF80  }
0xca: {  	_ =	swait.ge @!p3 [sflag:s11], $0x80  }
0xcb: {  	[sflag:s11] =	ssyncset.done @!p3 $0x0  }
0xcc: {  	s5 =	simm.s32 @!p3 $0x80;
	s7 =	simm.s32 @!p3 $0x400;
	[sflag:s11] =	ssyncadd.s32 @!p3 $0xFFFFFF80  }
0xcd: {  	[tilespmem:s7], [sflag:$0x1] =	stream.indirect.gather @!p3 [hbm4b:s0+s5], $0x80, s18, s5, $0xb8;
	[tilespmem:$0x1BC80] =	vst v63  }
0xce: {  	s21 =	sadd.s32 $0x2, s15  }
0xcf: {  	[spmem:s3] =	stream.indirect.scatter.add.f32 [tilespmem:s2], [sflag:$0x8], $0x80, s25, s24, $0xb8;
	[tilespmem:$0x1BC80] =	vst v63  }
0xd0: {  	p2 =	sge.u32 s21, s6;
	_ =	swait.ge [sflag:s4], $0x4000  }
0xd1: {  	p4 =	sge.u32 @!p2 s15, s19;
	[sflag:s4] =	ssyncset.done $0x0  }
0xd2: {  	p4 =	por p4, p2;
	s11 =	simm.s32 @!p2 $0x1;
	[sflag:s4] =	ssyncadd.s32 $0xFFFFC000  }
0xd3: {  	s5 =	sshrl.u32 @!p4 s14, $0x3;
	s7 =	simm.s32 @!p4 $0x0;
	_ =	swait.ge @!p2 [sflag:s11], $0x4000  }
0xd4: {  	p3 =	sge.u32 @!p2 s15, s17;
	s5 =	sadd.s32 @!p4 s1, s5;
	[sflag:s11] =	ssyncset.done @!p2 $0x0  }
0xd5: {  	p3 =	por p3, p2;
	s18 =	rddreg [dreg:$0xa];
	[sflag:s11] =	ssyncadd.s32 @!p2 $0xFFFFC000  }
0xd6: {  	[tilespmem:s7], [sflag:$0x3] =	stream.linear.gather @!p4 [hbm4b:s5+s7], $0x80, $0x38;
	[tilespmem:$0x1BC80] =	vst v63  }
0xd7: {  	s16 =	simm.s32 @!p4 $0x200;
	s11 =	simm.s32 @!p3 $0x6;
	s5 =	sadd.s32 @!p4 s12, s18  }
0xd8: {  	[tilespmem:s16], [sflag:$0x3] =	stream.linear.gather @!p4 [hbm4b:s5+s7], $0x80, $0x38;
	[tilespmem:$0x1BC80] =	vst v63  }
0xd9: {  	_ =	swait.ge @!p3 [sflag:s11], $0x80  }
0xda: {  	s13 =	sadd.s32 $0x40, s13;
	[sflag:s11] =	ssyncset.done @!p3 $0x0  }
0xdb: {  	p1 =	sne.s32 s13, $0x500;
	s10 =	smov.u32 s15;
	[sflag:s11] =	ssyncadd.s32 @!p3 $0xFFFFFF80  }
0xdc: {  	s14 =	sadd.s32 $0x200, s14;
	s20 =	simm.s32 @!p3 $0x180;
	_ =	swait.ge @!p3 [sflag:s11], $0x80  }
0xdd: {  	s18 =	simm.s32 @!p3 $0x80;
	s5 =	simm.s32 @!p2 $0x80;
	[sflag:s11] =	ssyncset.done @!p3 $0x0  }
.Ltmp1:
0xde: {  	s16 =	simm.s32 @!p3 $0x4400;
	[sflag:s11] =	ssyncadd.s32 @!p3 $0xFFFFFF80;
	(pc) =	sbr.rel @p1 .LBB2_4-.Ltmp1, $4  }
0xdf: {  	[tilespmem:s16], [sflag:$0x2] =	stream.indirect.gather @!p3 [hbm4b:s0+s18], $0x80, s20, s18, $0xb8;
	[tilespmem:$0x1BC80] =	vst v63  }
0xe0: {  	s7 =	simm.s32 @!p2 $0x300;
	s11 =	simm.s32 @!p2 $0x400;
	s18 =	simm.s32 @!p2 $0x8  }
0xe1: {  	[spmem:s3] =	stream.indirect.scatter.add.f32 @!p2 [tilespmem:s11], [sflag:$0x8], $0x80, s7, s5, $0xb8;
	[tilespmem:$0x1BC80] =	vst v63  }
0xe2: {  	s15 =	sadd.s32 $0x4, s15;
	s20 =	sadd.s32 $0x3, s10;
	_ =	swait.ge @!p2 [sflag:s18], $0x4000  }
0xe3: {  	[sflag:s18] =	ssyncset.done @!p2 $0x0;
	p1 =	sge.u32 s20, s6  }
0xe4: {  	[sflag:s18] =	ssyncadd.s32 @!p2 $0xFFFFC000;
	s5 =	simm.s32 @!p1 $0x2  }
0xe5: {  	p2 =	sge.u32 @!p1 s10, s19;
	_ =	swait.ge @!p1 [sflag:s5], $0x4000  }
0xe6: {  	p2 =	por p2, p1;
	s7 =	rddreg [dreg:$0x6]  }
0xe7: {  	s11 =	rddreg [dreg:$0x9];
	[sflag:s5] =	ssyncset.done @!p1 $0x0;
	p3 =	sge.u32 @!p1 s10, s7  }
0xe8: {  	s7 =	rddreg [dreg:$0x8];
	[sflag:s5] =	ssyncadd.s32 @!p1 $0xFFFFC000;
	p3 =	por p3, p1  }
0xe9: {  	s5 =	sadd.s32 @!p3 s12, s11;
	s10 =	simm.s32 @!p3 $0x0;
	s11 =	simm.s32 @!p3 $0x80  }
0xea: {  	[tilespmem:s11], [sflag:$0x4] =	stream.linear.gather @!p3 [hbm4b:s5+s10], $0x80, $0x38;
	[tilespmem:$0x1BC80] =	vst v63  }
0xeb: {  	s7 =	sadd.s32 @!p3 s12, s7;
	s5 =	simm.s32 @!p2 $0x3;
	s11 =	simm.s32 @!p3 $0x280  }
0xec: {  	[tilespmem:s11], [sflag:$0x4] =	stream.linear.gather @!p3 [hbm4b:s7+s10], $0x80, $0x38;
	[tilespmem:$0x1BC80] =	vst v63  }
0xed: {  	_ =	swait.ge @!p2 [sflag:s5], $0x80  }
0xee: {  	[sflag:s5] =	ssyncset.done @!p2 $0x0  }
0xef: {  	[sflag:s5] =	ssyncadd.s32 @!p2 $0xFFFFFF80  }
0xf0: {  	_ =	swait.ge @!p2 [sflag:s5], $0x80  }
0xf1: {  	s7 =	simm.s32 @!p1 $0x80;
	s10 =	simm.s32 @!p2 $0x80;
	[sflag:s5] =	ssyncset.done @!p2 $0x0  }
0xf2: {  	s11 =	simm.s32 @!p2 $0x0;
	[sflag:s5] =	ssyncadd.s32 @!p2 $0xFFFFFF80;
	s5 =	simm.s32 @!p2 $0x400  }
0xf3: {  	[tilespmem:s5], [sflag:$0x1] =	stream.indirect.gather @!p2 [hbm4b:s0+s10], $0x80, s11, s10, $0xb8;
	[tilespmem:$0x1BC80] =	vst v63  }
0xf4: {  	s5 =	simm.s32 @!p1 $0x4400;
	s10 =	simm.s32 @!p1 $0x380;
	s11 =	simm.s32 @!p1 $0x7  }
0xf5: {  	[spmem:s3] =	stream.indirect.scatter.add.f32 @!p1 [tilespmem:s5], [sflag:$0x7], $0x80, s10, s7, $0xb8;
	[tilespmem:$0x1BC80] =	vst v63  }
0xf6: {  	_ =	swait.ge @!p1 [sflag:s11], $0x4000  }
0xf7: {  	[sflag:s11] =	ssyncset.done @!p1 $0x0  }
0xf8: {  	[sflag:s11] =	ssyncadd.s32 @!p1 $0xFFFFC000  }
0xf9: {  	s18 =	stileid.u32;
	[bflag:$0x0] =	sbarrier.arrive $0xFFFF  }
0xfa: {  	s5 =	sshll.u32 s18, $0x6;
	s11 =	rddreg [dreg:$0x15]  }
0xfb: {  	s5 =	sor.u32 $0x1C07, s5;
	s21 =	rddreg [dreg:$0x16];
	s20 =	sshrl.u32 s11, $0x3  }
0xfc: {  	[hbm:s21], [sflag:s5] =	dma.local [spmem:s20], $0x2700  }
0xfd: {  	_ =	swait.ge [sflag:s28], $0x2700  }
0xfe: {  	[sflag:s28] =	ssyncset.done $0x0  }
0xff: {  	s7 =	sshrl.u32 @!p0 s22, $0x3;
	s10 =	rddreg [dreg:$0x17];
	[sflag:s28] =	ssyncadd.s32 $0xFFFFD900  }
0x100: {  	[hbm:s10], [sflag:s5] =	dma.local @!p0 [spmem:s7], $0x100  }
0x101: {  	s5 =	simm.s32 @!p0 $0x7  }
0x102: {  	_ =	swait.ge @!p0 [sflag:s5], $0x100  }
0x103: {  	s15 =	smov.u32 s22;
	s9 =	sadd.s32 $0x1, s9;
	s22 =	rddreg [dreg:$0x18]  }
0x104: {  	p1 =	sne.s32 s9, s22  }
.Ltmp2:
0x105: {  	_ = 	snop;
	(pc) =	sbr.rel @p1 .LBB2_1-.Ltmp2, $3  }
0x106: {  	_ =	sdelay $0x1  }
0x107: {  	[sflag:s5] =	ssyncset.done @!p0 $0x0  }
0x108: {  	[sflag:s5] =	ssyncadd.s32 @!p0 $0xFFFFFF00  }
0x109: {  	_ =	sfence.sel $0x180000  }
0x10a: {  	[bflag:$0x0] =	sbarrier.arrive $0xFFFF  }
0x10b: {  	_ =	strace $0x90000047  }
0x10c: {  	[bflag:$0x2] =	sbarrier.arrive $0xFFFF  }
0x10d: {  	s0 =	rddreg [dreg:$0x4]  }
0x10e: {  	s0 =	sadd.s32 @!p0 $0x100000, s0  }
0x10f: {  	[sflag:s0] =	ssyncadd.tile.s32 @!p0 $0x1;
	_ =	shalt  }
.Lfunc_end2:
_tile_overlayer_lowered:
.L_overlay_start_2:
0x110: {  	(tag) =	ssettag $0x2  }
0x111: {  	s0 =	rddreg [dreg:$0x0];
	s2 =	stileid.u32  }
0x112: {  	s1 =	rddreg [dreg:$0x1];
	p0 =	sne.s32 s2, $0x0  }
0x113: {  	s3 =	rddreg [dreg:$0x2];
	[bflag:$0x3] =	sbarrier.arrive $0xFFFF;
	s2 =	simm.s32 @!p0 $0x1C07  }
0x114: {  	[timem:s3], [sflag:s2] =	dma.local @!p0 [hbm:s0], s1  }
0x115: {  	s0 =	simm.s32 @!p0 $0x7  }
0x116: {  	_ =	swait.ge @!p0 [sflag:s0], s1  }
0x117: {  	s1 =	ssub.s32 @!p0 $0x0, s1;
	[sflag:s0] =	ssyncset.done @!p0 $0x0  }
0x118: {  	[sflag:s0] =	ssyncadd.s32 @!p0 s1  }
0x119: {  	[bflag:$0x3] =	sbarrier.arrive $0xFFFF  }
0x11a: {  	_ =	shalt  }

</sc_bundles>
